<compile_context>
chip_gen: v7x
topology: tpu7x:2x2x1
jax: 0.10.2.dev20260603
libtpu: 0.0.44.dev20260713+nightly
codegen_flags: <defaults>
</compile_context>

<pallas_src>
import functools
import math

import jax
import jax.numpy as jnp
from jax import lax
from jax.experimental import pallas as pl
from jax.experimental.pallas import tpu as pltpu
from jax.experimental.pallas import tpu_sc as plsc

B, S, D, H, E = 2, 2048, 768, 1536, 64
T = B * S
BT = 128
NT = 96
XS_PAD = NT * BT
XH = D // 2
XW = XH + 128

NC, NS = 2, 16
NW = NC * NS
PER_W = T // NW
CH = 64


def _router_body(x_ref, wg_ref, bg_ref, pos_ref, pw_ref, eb_ref):
    x = x_ref[...].reshape(T, D)
    logits = jnp.dot(x, wg_ref[...], preferred_element_type=jnp.float32)
    logits = logits + bg_ref[...]
    m = jnp.max(logits, axis=1, keepdims=True)
    iota_e = lax.broadcasted_iota(jnp.int32, (T, E), 1)
    top1 = jnp.min(jnp.where(logits == m, iota_e, E), axis=1, keepdims=True)
    pmax = 1.0 / jnp.sum(jnp.exp(logits - m), axis=1, keepdims=True)

    onehot = (iota_e == top1).astype(jnp.int32)
    inc = onehot
    k = 1
    while k < T:
        shifted = jnp.concatenate(
            [jnp.zeros((k, E), jnp.int32), inc[: T - k, :]], axis=0)
        inc = inc + shifted
        k *= 2
    counts = inc[T - 1:T, :]

    ntiles = (counts + BT - 1) // BT
    cum = ntiles
    k = 1
    while k < E:
        shifted = jnp.concatenate(
            [jnp.zeros((1, k), jnp.int32), cum[:, : E - k]], axis=1)
        cum = cum + shifted
        k *= 2
    excl = cum - ntiles
    pos = jnp.sum(jnp.where(onehot != 0, inc + BT * excl, 0), axis=1) - 1
    pos_ref[...] = pos

    x_bf = x.astype(jnp.bfloat16)
    lo = lax.bitcast_convert_type(x_bf[:, :XH], jnp.uint16).astype(jnp.uint32)
    hi = lax.bitcast_convert_type(x_bf[:, XH:], jnp.uint16).astype(jnp.uint32)
    xi = lo | (hi << 16)
    pb = lax.bitcast_convert_type(pmax.astype(jnp.bfloat16),
                                  jnp.uint16).astype(jnp.uint32)
    pi = jnp.broadcast_to(pb | (pb << 16), (T, XW - XH))
    pw_ref[...] = lax.bitcast_convert_type(
        jnp.concatenate([xi, pi], axis=1), jnp.int32)

    ii = lax.broadcasted_iota(jnp.int32, (NT, E), 0)
    cum_b = jnp.broadcast_to(cum, (NT, E))
    eid = jnp.sum((cum_b <= ii).astype(jnp.int32), axis=1, keepdims=True)
    iota_e_row = lax.broadcasted_iota(jnp.int32, (1, E), 1)
    last_e = jnp.max(jnp.where(counts > 0, iota_e_row, 0))
    eids = jnp.minimum(eid, last_e)
    total = cum[0, E - 1]
    ii1 = lax.broadcasted_iota(jnp.int32, (NT, 1), 0)
    blks = jnp.where(ii1 < total, ii1, total - 1)
    eb_ref[...] = jnp.concatenate([eids, blks], axis=0).reshape(2 * NT)


def _run_router(x, Wg, bg):
    return pl.pallas_call(
        _router_body,
        out_shape=[
            jax.ShapeDtypeStruct((T,), jnp.int32),
            jax.ShapeDtypeStruct((T, XW), jnp.int32),
            jax.ShapeDtypeStruct((2 * NT,), jnp.int32),
        ],
    )(x, Wg, bg.reshape(1, E))


def _dispatch_body(pos_hbm, pw_hbm, xs_hbm, idx_v, rows_v, sem_x):
    wid = lax.axis_index("s") * NC + lax.axis_index("c")
    base = wid * PER_W
    pltpu.sync_copy(pos_hbm.at[pl.ds(base, PER_W)], idx_v)
    pltpu.sync_copy(pw_hbm.at[pl.ds(base, PER_W)], rows_v)
    pltpu.async_copy(rows_v, xs_hbm.at[idx_v], sem_x).wait()


def _run_dispatch(pos, pw):
    f = functools.partial(
        pl.kernel,
        out_type=jax.ShapeDtypeStruct((XS_PAD, XW), jnp.int32),
        mesh=plsc.VectorSubcoreMesh(core_axis_name="c", subcore_axis_name="s"),
        scratch_types=[
            pltpu.VMEM((PER_W,), jnp.int32),
            pltpu.VMEM((PER_W, XW), jnp.int32),
            pltpu.SemaphoreType.DMA,
        ],
    )(_dispatch_body)
    return f(pos, pw)


def _ffn_body(eb, xs_ref, w1_ref, b1_ref, w2_ref, b2_ref, os_ref):
    u = lax.bitcast_convert_type(xs_ref[...], jnp.uint32)
    xi = u[:, :XH]
    xlo = lax.bitcast_convert_type((xi & 0xFFFF).astype(jnp.uint16),
                                   jnp.bfloat16).astype(jnp.float32)
    xhi = lax.bitcast_convert_type((xi >> 16).astype(jnp.uint16),
                                   jnp.bfloat16).astype(jnp.float32)
    x = jnp.concatenate([xlo, xhi], axis=1)
    p = lax.bitcast_convert_type(
        (u[:, XH:XH + 1] & 0xFFFF).astype(jnp.uint16),
        jnp.bfloat16).astype(jnp.float32)
    h = jnp.dot(x, w1_ref[0], preferred_element_type=jnp.float32)
    h = h + b1_ref[0]
    h = 0.5 * h * (1.0 + lax.erf(h * (1.0 / math.sqrt(2.0))))
    o = jnp.dot(h, w2_ref[0], preferred_element_type=jnp.float32)
    o = o + b2_ref[0]
    os_ref[...] = o * p


def _run_ffn(eb, xs, W1, b1, W2, b2):
    grid_spec = pltpu.PrefetchScalarGridSpec(
        num_scalar_prefetch=1,
        grid=(NT,),
        in_specs=[
            pl.BlockSpec((BT, XW), lambda i, eb: (eb[NT + i], 0)),
            pl.BlockSpec((1, D, H), lambda i, eb: (eb[i], 0, 0)),
            pl.BlockSpec((1, 1, H), lambda i, eb: (eb[i], 0, 0)),
            pl.BlockSpec((1, H, D), lambda i, eb: (eb[i], 0, 0)),
            pl.BlockSpec((1, 1, D), lambda i, eb: (eb[i], 0, 0)),
        ],
        out_specs=pl.BlockSpec((BT, D), lambda i, eb: (eb[NT + i], 0)),
    )
    return pl.pallas_call(
        _ffn_body,
        grid_spec=grid_spec,
        out_shape=jax.ShapeDtypeStruct((XS_PAD, D), jnp.float32),
    )(eb, xs, W1, b1.reshape(E, 1, H), W2, b2.reshape(E, 1, D))


def _combine_body(pos_hbm, os_hbm, out_hbm,
                  idx0, idx1, rows0, rows1, sem0, sem1):
    wid = lax.axis_index("s") * NC + lax.axis_index("c")
    base = wid * PER_W
    pltpu.sync_copy(pos_hbm.at[pl.ds(base, CH)], idx0)
    g0 = pltpu.async_copy(os_hbm.at[idx0], rows0, sem0)
    pltpu.sync_copy(pos_hbm.at[pl.ds(base + CH, CH)], idx1)
    g1 = pltpu.async_copy(os_hbm.at[idx1], rows1, sem1)
    g0.wait()
    pltpu.sync_copy(rows0, out_hbm.at[pl.ds(base, CH)])
    g1.wait()
    pltpu.sync_copy(rows1, out_hbm.at[pl.ds(base + CH, CH)])


def _run_combine(pos, os):
    f = functools.partial(
        pl.kernel,
        out_type=jax.ShapeDtypeStruct((T, D), jnp.float32),
        mesh=plsc.VectorSubcoreMesh(core_axis_name="c", subcore_axis_name="s"),
        scratch_types=[
            pltpu.VMEM((CH,), jnp.int32),
            pltpu.VMEM((CH,), jnp.int32),
            pltpu.VMEM((CH, D), jnp.float32),
            pltpu.VMEM((CH, D), jnp.float32),
            pltpu.SemaphoreType.DMA,
            pltpu.SemaphoreType.DMA,
        ],
    )(_combine_body)
    return f(pos, os)


@jax.jit
def kernel(x, W1, b1, W2, b2, Wg, bg):
    pos, pw, eb = _run_router(x, Wg, bg)
    xs = _run_dispatch(pos, pw)
    os = _run_ffn(eb, xs, W1, b1, W2, b2)
    out = _run_combine(pos, os)
    return out.reshape(B, S, D)

# --- scband reference (transcript-rebuilt; emitter-appended) ---
"""Pipeline reference for scband-mo-elayer-18949395710757 (READ-ONLY COPY).

The authoritative reference and input builder live on the scoring server;
editing this copy changes nothing except your own understanding.
"""

import jax, jax.numpy as jnp
import numpy as np

B, S, D, H, E = 2, 2048, 768, 1536, 64

def setup_inputs(seed: int = 0) -> dict:
    key = jax.random.key(seed)
    ks = jax.random.split(key, 8)
    x  = jax.random.normal(ks[0], (B, S, D), dtype=jnp.float32)
    W1 = jax.random.normal(ks[1], (E, D, H), dtype=jnp.float32) * 0.02
    b1 = jnp.zeros((E, H), dtype=jnp.float32)
    W2 = jax.random.normal(ks[2], (E, H, D), dtype=jnp.float32) * 0.02
    b2 = jnp.zeros((E, D), dtype=jnp.float32)
    Wg = jax.random.normal(ks[3], (D, E), dtype=jnp.float32) * 0.02
    bg = jnp.zeros((E,), dtype=jnp.float32)
    return {"x": x, "W1": W1, "b1": b1, "W2": W2, "b2": b2, "Wg": Wg, "bg": bg}

def reference(x, W1, b1, W2, b2, Wg, bg):
    # Top-1 gated MoE: gate -> softmax -> argmax -> per-expert FFN on routed tokens
    Bv, Sv, Dv = x.shape
    Ev = Wg.shape[1]
    xf = x.reshape(-1, Dv)                      # [T, D]
    logits = xf @ Wg + bg                       # [T, E]
    probs = jax.nn.softmax(logits, axis=-1)     # [T, E]
    top1 = jnp.argmax(probs, axis=-1)           # [T]
    out0 = jnp.zeros_like(xf)

    def body(out, xs):
        W1e, b1e, W2e, b2e, pe, e = xs
        h = jax.nn.gelu(xf @ W1e + b1e, approximate=False)  # torch GELU is exact erf form
        o = (h @ W2e + b2e) * pe[:, None]                   # weight by gate prob
        out = jnp.where((top1 == e)[:, None], o, out)       # select routed tokens
        return out, None

    es = jnp.arange(Ev)
    out, _ = jax.lax.scan(body, out0, (W1, b1, W2, b2, probs.T, es))
    return out.reshape(Bv, Sv, Dv)

if __name__ == "__main__":
    import jax
    _d = setup_inputs()
    print(jax.jit(kernel)(*tuple(_d.values())))

</pallas_src>

<mosaic_0001>
#map = affine_map<(d0, d1) -> (0)>
#map1 = affine_map<(d0, d1) -> (0, 0)>
module attributes {stable_mosaic.version = 14 : i64} {
  func.func @_combine_body(%arg0: i32, %arg1: i32, %arg2: memref<4096xi32, #tpu.memory_space<hbm>>, %arg3: memref<12288x768xf32, #tpu.memory_space<hbm>>, %arg4: memref<4096x768xf32, #tpu.memory_space<hbm>>, %arg5: memref<64xi32, #tpu.memory_space<vmem>>, %arg6: memref<64xi32, #tpu.memory_space<vmem>>, %arg7: memref<64x768xf32, #tpu.memory_space<vmem>>, %arg8: memref<64x768xf32, #tpu.memory_space<vmem>>, %arg9: memref<!tpu.dma_semaphore, #tpu.memory_space<semaphore_mem>>, %arg10: memref<!tpu.dma_semaphore, #tpu.memory_space<semaphore_mem>>) attributes {dimension_semantics = [#tpu.dimension_semantics<core_parallel>, #tpu.dimension_semantics<subcore_parallel>], iteration_bounds = array<i64: 2, 16>, scalar_prefetch = 0 : i64, scratch_operands = 6 : i64, tpu.core_type = #tpu.core_type<sc_vector_subcore>, window_params = [{transform_indices = #map}, {transform_indices = #map1}, {transform_indices = #map1}]} {
    %mul3A = arith.constant 2 : i32
    %mul3A_0 = arith.muli %arg1, %mul3A : i32
    %add3A = arith.addi %mul3A_0, %arg0 : i32
    %mul3A_1 = arith.constant 128 : i32
    %mul3A_2 = arith.muli %add3A, %mul3A_1 : i32
    "tpu.region"() ({
      %run_scoped3A = tpu.sem_alloc : memref<!tpu.dma_semaphore, #tpu.memory_space<semaphore_mem>>
      %dma_start3A_17 = tpu.memref_slice %arg2[%mul3A_2] : memref<4096xi32, #tpu.memory_space<hbm>> -> memref<64xi32, #tpu.memory_space<hbm>>
      %dma_start3A_18 = tpu.memref_slice %arg2[%mul3A_2] : memref<4096xi32, #tpu.memory_space<hbm>> -> memref<64xi32, #tpu.memory_space<hbm>>
      tpu.enqueue_dma source(%dma_start3A_18 : memref<64xi32, #tpu.memory_space<hbm>>) target(%arg5 : memref<64xi32, #tpu.memory_space<vmem>>) target_semaphore(%run_scoped3A : memref<!tpu.dma_semaphore, #tpu.memory_space<semaphore_mem>>)
      %dma_wait3A_19 = tpu.memref_slice %arg2[%mul3A_2] : memref<4096xi32, #tpu.memory_space<hbm>> -> memref<64xi32, #tpu.memory_space<hbm>>
      %dma_wait3A_20 = tpu.memref_slice %arg2[%mul3A_2] : memref<4096xi32, #tpu.memory_space<hbm>> -> memref<64xi32, #tpu.memory_space<hbm>>
      tpu.wait_dma2 semaphore(%run_scoped3A : memref<!tpu.dma_semaphore, #tpu.memory_space<semaphore_mem>>) src(%dma_wait3A_20 : memref<64xi32, #tpu.memory_space<hbm>>) dst(%arg5 : memref<64xi32, #tpu.memory_space<vmem>>)
      tpu.yield
    }) : () -> ()
    %dma_start3A = arith.constant 0 : i32
    %dma_start3A_3 = arith.constant 0 : i32
    %dma_start3A_4 = tpu.memref_slice %arg3[%dma_start3A, %dma_start3A_3] : memref<12288x768xf32, #tpu.memory_space<hbm>> -> memref<12288x768xf32, #tpu.memory_space<hbm>>
    tpu.enqueue_indirect_dma source(%dma_start3A_4 : memref<12288x768xf32, #tpu.memory_space<hbm>>) target(%arg7 : memref<64x768xf32, #tpu.memory_space<vmem>>) offsets(%arg5 : memref<64xi32, #tpu.memory_space<vmem>>) semaphore(%arg9 : memref<!tpu.dma_semaphore, #tpu.memory_space<semaphore_mem>>)
    %add3A_5 = arith.constant 64 : i32
    %add3A_6 = arith.addi %mul3A_2, %add3A_5 : i32
    "tpu.region"() ({
      %run_scoped3A = tpu.sem_alloc : memref<!tpu.dma_semaphore, #tpu.memory_space<semaphore_mem>>
      %dma_start3A_17 = tpu.memref_slice %arg2[%add3A_6] : memref<4096xi32, #tpu.memory_space<hbm>> -> memref<64xi32, #tpu.memory_space<hbm>>
      %dma_start3A_18 = tpu.memref_slice %arg2[%add3A_6] : memref<4096xi32, #tpu.memory_space<hbm>> -> memref<64xi32, #tpu.memory_space<hbm>>
      tpu.enqueue_dma source(%dma_start3A_18 : memref<64xi32, #tpu.memory_space<hbm>>) target(%arg6 : memref<64xi32, #tpu.memory_space<vmem>>) target_semaphore(%run_scoped3A : memref<!tpu.dma_semaphore, #tpu.memory_space<semaphore_mem>>)
      %dma_wait3A_19 = tpu.memref_slice %arg2[%add3A_6] : memref<4096xi32, #tpu.memory_space<hbm>> -> memref<64xi32, #tpu.memory_space<hbm>>
      %dma_wait3A_20 = tpu.memref_slice %arg2[%add3A_6] : memref<4096xi32, #tpu.memory_space<hbm>> -> memref<64xi32, #tpu.memory_space<hbm>>
      tpu.wait_dma2 semaphore(%run_scoped3A : memref<!tpu.dma_semaphore, #tpu.memory_space<semaphore_mem>>) src(%dma_wait3A_20 : memref<64xi32, #tpu.memory_space<hbm>>) dst(%arg6 : memref<64xi32, #tpu.memory_space<vmem>>)
      tpu.yield
    }) : () -> ()
    %dma_start3A_7 = arith.constant 0 : i32
    %dma_start3A_8 = arith.constant 0 : i32
    %dma_start3A_9 = tpu.memref_slice %arg3[%dma_start3A_7, %dma_start3A_8] : memref<12288x768xf32, #tpu.memory_space<hbm>> -> memref<12288x768xf32, #tpu.memory_space<hbm>>
    tpu.enqueue_indirect_dma source(%dma_start3A_9 : memref<12288x768xf32, #tpu.memory_space<hbm>>) target(%arg8 : memref<64x768xf32, #tpu.memory_space<vmem>>) offsets(%arg6 : memref<64xi32, #tpu.memory_space<vmem>>) semaphore(%arg10 : memref<!tpu.dma_semaphore, #tpu.memory_space<semaphore_mem>>)
    %dma_wait3A = arith.constant 0 : i32
    %dma_wait3A_10 = arith.constant 0 : i32
    %dma_wait3A_11 = tpu.memref_slice %arg3[%dma_wait3A, %dma_wait3A_10] : memref<12288x768xf32, #tpu.memory_space<hbm>> -> memref<12288x768xf32, #tpu.memory_space<hbm>>
    tpu.wait_indirect_dma semaphore(%arg9 : memref<!tpu.dma_semaphore, #tpu.memory_space<semaphore_mem>>) src(%dma_wait3A_11 : memref<12288x768xf32, #tpu.memory_space<hbm>>) dst(%arg7 : memref<64x768xf32, #tpu.memory_space<vmem>>)
    "tpu.region"() ({
      %run_scoped3A = tpu.sem_alloc : memref<!tpu.dma_semaphore, #tpu.memory_space<semaphore_mem>>
      %dma_start3A_17 = arith.constant 0 : i32
      %dma_start3A_18 = tpu.memref_slice %arg4[%mul3A_2, %dma_start3A_17] : memref<4096x768xf32, #tpu.memory_space<hbm>> -> memref<64x768xf32, #tpu.memory_space<hbm>>
      %dma_start3A_19 = arith.constant 0 : i32
      %dma_start3A_20 = tpu.memref_slice %arg4[%mul3A_2, %dma_start3A_19] : memref<4096x768xf32, #tpu.memory_space<hbm>> -> memref<64x768xf32, #tpu.memory_space<hbm>>
      tpu.enqueue_dma source(%arg7 : memref<64x768xf32, #tpu.memory_space<vmem>>) target(%dma_start3A_20 : memref<64x768xf32, #tpu.memory_space<hbm>>) target_semaphore(%run_scoped3A : memref<!tpu.dma_semaphore, #tpu.memory_space<semaphore_mem>>)
      %dma_wait3A_21 = arith.constant 0 : i32
      %dma_wait3A_22 = tpu.memref_slice %arg4[%mul3A_2, %dma_wait3A_21] : memref<4096x768xf32, #tpu.memory_space<hbm>> -> memref<64x768xf32, #tpu.memory_space<hbm>>
      %dma_wait3A_23 = arith.constant 0 : i32
      %dma_wait3A_24 = tpu.memref_slice %arg4[%mul3A_2, %dma_wait3A_23] : memref<4096x768xf32, #tpu.memory_space<hbm>> -> memref<64x768xf32, #tpu.memory_space<hbm>>
      tpu.wait_dma2 semaphore(%run_scoped3A : memref<!tpu.dma_semaphore, #tpu.memory_space<semaphore_mem>>) src(%arg7 : memref<64x768xf32, #tpu.memory_space<vmem>>) dst(%dma_wait3A_24 : memref<64x768xf32, #tpu.memory_space<hbm>>)
      tpu.yield
    }) : () -> ()
    %dma_wait3A_12 = arith.constant 0 : i32
    %dma_wait3A_13 = arith.constant 0 : i32
    %dma_wait3A_14 = tpu.memref_slice %arg3[%dma_wait3A_12, %dma_wait3A_13] : memref<12288x768xf32, #tpu.memory_space<hbm>> -> memref<12288x768xf32, #tpu.memory_space<hbm>>
    tpu.wait_indirect_dma semaphore(%arg10 : memref<!tpu.dma_semaphore, #tpu.memory_space<semaphore_mem>>) src(%dma_wait3A_14 : memref<12288x768xf32, #tpu.memory_space<hbm>>) dst(%arg8 : memref<64x768xf32, #tpu.memory_space<vmem>>)
    %add3A_15 = arith.constant 64 : i32
    %add3A_16 = arith.addi %mul3A_2, %add3A_15 : i32
    "tpu.region"() ({
      %run_scoped3A = tpu.sem_alloc : memref<!tpu.dma_semaphore, #tpu.memory_space<semaphore_mem>>
      %dma_start3A_17 = arith.constant 0 : i32
      %dma_start3A_18 = tpu.memref_slice %arg4[%add3A_16, %dma_start3A_17] : memref<4096x768xf32, #tpu.memory_space<hbm>> -> memref<64x768xf32, #tpu.memory_space<hbm>>
      %dma_start3A_19 = arith.constant 0 : i32
      %dma_start3A_20 = tpu.memref_slice %arg4[%add3A_16, %dma_start3A_19] : memref<4096x768xf32, #tpu.memory_space<hbm>> -> memref<64x768xf32, #tpu.memory_space<hbm>>
      tpu.enqueue_dma source(%arg8 : memref<64x768xf32, #tpu.memory_space<vmem>>) target(%dma_start3A_20 : memref<64x768xf32, #tpu.memory_space<hbm>>) target_semaphore(%run_scoped3A : memref<!tpu.dma_semaphore, #tpu.memory_space<semaphore_mem>>)
      %dma_wait3A_21 = arith.constant 0 : i32
      %dma_wait3A_22 = tpu.memref_slice %arg4[%add3A_16, %dma_wait3A_21] : memref<4096x768xf32, #tpu.memory_space<hbm>> -> memref<64x768xf32, #tpu.memory_space<hbm>>
      %dma_wait3A_23 = arith.constant 0 : i32
      %dma_wait3A_24 = tpu.memref_slice %arg4[%add3A_16, %dma_wait3A_23] : memref<4096x768xf32, #tpu.memory_space<hbm>> -> memref<64x768xf32, #tpu.memory_space<hbm>>
      tpu.wait_dma2 semaphore(%run_scoped3A : memref<!tpu.dma_semaphore, #tpu.memory_space<semaphore_mem>>) src(%arg8 : memref<64x768xf32, #tpu.memory_space<vmem>>) dst(%dma_wait3A_24 : memref<64x768xf32, #tpu.memory_space<hbm>>)
      tpu.yield
    }) : () -> ()
    return
  }
}

#map = affine_map<(d0, d1) -> (0)>
#map1 = affine_map<(d0, d1) -> (0, 0)>
module attributes {stable_mosaic.version = 14 : i64} {
  func.func @_dispatch_body(%arg0: i32, %arg1: i32, %arg2: memref<4096xi32, #tpu.memory_space<hbm>>, %arg3: memref<4096x512xi32, #tpu.memory_space<hbm>>, %arg4: memref<12288x512xi32, #tpu.memory_space<hbm>>, %arg5: memref<128xi32, #tpu.memory_space<vmem>>, %arg6: memref<128x512xi32, #tpu.memory_space<vmem>>, %arg7: memref<!tpu.dma_semaphore, #tpu.memory_space<semaphore_mem>>) attributes {dimension_semantics = [#tpu.dimension_semantics<core_parallel>, #tpu.dimension_semantics<subcore_parallel>], iteration_bounds = array<i64: 2, 16>, scalar_prefetch = 0 : i64, scratch_operands = 3 : i64, tpu.core_type = #tpu.core_type<sc_vector_subcore>, window_params = [{transform_indices = #map}, {transform_indices = #map1}, {transform_indices = #map1}]} {
    %mul3A = arith.constant 2 : i32
    %mul3A_0 = arith.muli %arg1, %mul3A : i32
    %add3A = arith.addi %mul3A_0, %arg0 : i32
    %mul3A_1 = arith.constant 128 : i32
    %mul3A_2 = arith.muli %add3A, %mul3A_1 : i32
    "tpu.region"() ({
      %run_scoped3A = tpu.sem_alloc : memref<!tpu.dma_semaphore, #tpu.memory_space<semaphore_mem>>
      %dma_start3A_7 = tpu.memref_slice %arg2[%mul3A_2] : memref<4096xi32, #tpu.memory_space<hbm>> -> memref<128xi32, #tpu.memory_space<hbm>>
      %dma_start3A_8 = tpu.memref_slice %arg2[%mul3A_2] : memref<4096xi32, #tpu.memory_space<hbm>> -> memref<128xi32, #tpu.memory_space<hbm>>
      tpu.enqueue_dma source(%dma_start3A_8 : memref<128xi32, #tpu.memory_space<hbm>>) target(%arg5 : memref<128xi32, #tpu.memory_space<vmem>>) target_semaphore(%run_scoped3A : memref<!tpu.dma_semaphore, #tpu.memory_space<semaphore_mem>>)
      %dma_wait3A_9 = tpu.memref_slice %arg2[%mul3A_2] : memref<4096xi32, #tpu.memory_space<hbm>> -> memref<128xi32, #tpu.memory_space<hbm>>
      %dma_wait3A_10 = tpu.memref_slice %arg2[%mul3A_2] : memref<4096xi32, #tpu.memory_space<hbm>> -> memref<128xi32, #tpu.memory_space<hbm>>
      tpu.wait_dma2 semaphore(%run_scoped3A : memref<!tpu.dma_semaphore, #tpu.memory_space<semaphore_mem>>) src(%dma_wait3A_10 : memref<128xi32, #tpu.memory_space<hbm>>) dst(%arg5 : memref<128xi32, #tpu.memory_space<vmem>>)
      tpu.yield
    }) : () -> ()
    "tpu.region"() ({
      %run_scoped3A = tpu.sem_alloc : memref<!tpu.dma_semaphore, #tpu.memory_space<semaphore_mem>>
      %dma_start3A_7 = arith.constant 0 : i32
      %dma_start3A_8 = tpu.memref_slice %arg3[%mul3A_2, %dma_start3A_7] : memref<4096x512xi32, #tpu.memory_space<hbm>> -> memref<128x512xi32, #tpu.memory_space<hbm>>
      %dma_start3A_9 = arith.constant 0 : i32
      %dma_start3A_10 = tpu.memref_slice %arg3[%mul3A_2, %dma_start3A_9] : memref<4096x512xi32, #tpu.memory_space<hbm>> -> memref<128x512xi32, #tpu.memory_space<hbm>>
      tpu.enqueue_dma source(%dma_start3A_10 : memref<128x512xi32, #tpu.memory_space<hbm>>) target(%arg6 : memref<128x512xi32, #tpu.memory_space<vmem>>) target_semaphore(%run_scoped3A : memref<!tpu.dma_semaphore, #tpu.memory_space<semaphore_mem>>)
      %dma_wait3A_11 = arith.constant 0 : i32
      %dma_wait3A_12 = tpu.memref_slice %arg3[%mul3A_2, %dma_wait3A_11] : memref<4096x512xi32, #tpu.memory_space<hbm>> -> memref<128x512xi32, #tpu.memory_space<hbm>>
      %dma_wait3A_13 = arith.constant 0 : i32
      %dma_wait3A_14 = tpu.memref_slice %arg3[%mul3A_2, %dma_wait3A_13] : memref<4096x512xi32, #tpu.memory_space<hbm>> -> memref<128x512xi32, #tpu.memory_space<hbm>>
      tpu.wait_dma2 semaphore(%run_scoped3A : memref<!tpu.dma_semaphore, #tpu.memory_space<semaphore_mem>>) src(%dma_wait3A_14 : memref<128x512xi32, #tpu.memory_space<hbm>>) dst(%arg6 : memref<128x512xi32, #tpu.memory_space<vmem>>)
      tpu.yield
    }) : () -> ()
    %dma_start3A = arith.constant 0 : i32
    %dma_start3A_3 = arith.constant 0 : i32
    %dma_start3A_4 = tpu.memref_slice %arg4[%dma_start3A, %dma_start3A_3] : memref<12288x512xi32, #tpu.memory_space<hbm>> -> memref<12288x512xi32, #tpu.memory_space<hbm>>
    tpu.enqueue_indirect_dma source(%arg6 : memref<128x512xi32, #tpu.memory_space<vmem>>) target(%dma_start3A_4 : memref<12288x512xi32, #tpu.memory_space<hbm>>) offsets(%arg5 : memref<128xi32, #tpu.memory_space<vmem>>) semaphore(%arg7 : memref<!tpu.dma_semaphore, #tpu.memory_space<semaphore_mem>>)
    %dma_wait3A = arith.constant 0 : i32
    %dma_wait3A_5 = arith.constant 0 : i32
    %dma_wait3A_6 = tpu.memref_slice %arg4[%dma_wait3A, %dma_wait3A_5] : memref<12288x512xi32, #tpu.memory_space<hbm>> -> memref<12288x512xi32, #tpu.memory_space<hbm>>
    tpu.wait_indirect_dma semaphore(%arg7 : memref<!tpu.dma_semaphore, #tpu.memory_space<semaphore_mem>>) src(%arg6 : memref<128x512xi32, #tpu.memory_space<vmem>>) dst(%dma_wait3A_6 : memref<12288x512xi32, #tpu.memory_space<hbm>>)
    return
  }
}

module attributes {stable_mosaic.version = 14 : i64} {
  func.func @_router_body(%arg0: memref<2x2048x768xf32, #tpu.memory_space<vmem>>, %arg1: memref<768x64xf32, #tpu.memory_space<vmem>>, %arg2: memref<1x64xf32, #tpu.memory_space<vmem>>, %arg3: memref<4096xi32, #tpu.memory_space<vmem>>, %arg4: memref<4096x512xi32, #tpu.memory_space<vmem>>, %arg5: memref<192xi32, #tpu.memory_space<vmem>>) attributes {dimension_semantics = [], scalar_prefetch = 0 : i64, scratch_operands = 0 : i64, tpu.core_type = #tpu.core_type<tc>} {
    %get3A = arith.constant 0 : index
    %get3A_0 = arith.constant 0 : index
    %get3A_1 = arith.constant 0 : index
    %get3A_2 = vector.load %arg0[%get3A, %get3A_0, %get3A_1] : memref<2x2048x768xf32, #tpu.memory_space<vmem>>, vector<2x2048x768xf32>
    %reshape3A = vector.shape_cast %get3A_2 : vector<2x2048x768xf32> to vector<4096x768xf32>
    %get3A_3 = arith.constant 0 : index
    %get3A_4 = arith.constant 0 : index
    %get3A_5 = vector.load %arg1[%get3A_3, %get3A_4] : memref<768x64xf32, #tpu.memory_space<vmem>>, vector<768x64xf32>
    %dot_general3A = arith.constant dense<0.000000e+00> : vector<4096x64xf32>
    %dot_general3A_6 = tpu.matmul %reshape3A, %get3A_5, %dot_general3A {dimension_numbers = #tpu.dot_dimension_numbers<[1], [0], [0], [1], [0, 0, 1, 1], [], []>, transpose_lhs_hint = false} : vector<4096x768xf32>, vector<768x64xf32>, vector<4096x64xf32> -> vector<4096x64xf32>
    %get3A_7 = arith.constant 0 : index
    %get3A_8 = arith.constant 0 : index
    %get3A_9 = vector.load %arg2[%get3A_7, %get3A_8] : memref<1x64xf32, #tpu.memory_space<vmem>>, vector<1x64xf32>
    %add3A = vector.broadcast %get3A_9 : vector<1x64xf32> to vector<4096x64xf32>
    %add3A_10 = arith.addf %dot_general3A_6, %add3A : vector<4096x64xf32>
    %reduce_max3A = arith.constant dense<0xFF800000> : vector<4096xf32>
    %reduce_max3A_11 = vector.multi_reduction <maximumf>, %add3A_10, %reduce_max3A [1] : vector<4096x64xf32> to vector<4096xf32>
    %broadcast_in_dim3A = vector.shape_cast %reduce_max3A_11 : vector<4096xf32> to vector<4096x1xf32>
    %iota3A = tpu.iota {dimensions = array<i32: 1>} : vector<4096x64xi32>
    %eq3A = vector.broadcast %broadcast_in_dim3A : vector<4096x1xf32> to vector<4096x64xf32>
    %eq3A_12 = arith.cmpf oeq, %add3A_10, %eq3A : vector<4096x64xf32>
    %jit3A = arith.constant 64 : i32
    %broadcast_in_dim3A_13 = vector.broadcast %jit3A : i32 to vector<4096x64xi32>
    %select_n3A = arith.select %eq3A_12, %iota3A, %broadcast_in_dim3A_13 : vector<4096x64xi1>, vector<4096x64xi32>
    %reduce_min3A = arith.constant dense<2147483647> : vector<4096xi32>
    %reduce_min3A_14 = vector.multi_reduction <minsi>, %select_n3A, %reduce_min3A [1] : vector<4096x64xi32> to vector<4096xi32>
    %broadcast_in_dim3A_15 = vector.shape_cast %reduce_min3A_14 : vector<4096xi32> to vector<4096x1xi32>
    %sub3A = vector.broadcast %broadcast_in_dim3A : vector<4096x1xf32> to vector<4096x64xf32>
    %sub3A_16 = arith.subf %add3A_10, %sub3A : vector<4096x64xf32>
    %exp3A = math.exp %sub3A_16 : vector<4096x64xf32>
    %reduce_sum3A = arith.constant dense<0.000000e+00> : vector<4096xf32>
    %reduce_sum3A_17 = vector.multi_reduction <add>, %exp3A, %reduce_sum3A [1] : vector<4096x64xf32> to vector<4096xf32>
    %broadcast_in_dim3A_18 = vector.shape_cast %reduce_sum3A_17 : vector<4096xf32> to vector<4096x1xf32>
    %div3A = arith.constant 1.000000e+00 : f32
    %div3A_19 = vector.broadcast %div3A : f32 to vector<4096x1xf32>
    %div3A_20 = arith.divf %div3A_19, %broadcast_in_dim3A_18 : vector<4096x1xf32>
    %eq3A_21 = vector.broadcast %broadcast_in_dim3A_15 : vector<4096x1xi32> to vector<4096x64xi32>
    %eq3A_22 = arith.cmpi eq, %iota3A, %eq3A_21 : vector<4096x64xi32>
    %convert_element_type3A = arith.extui %eq3A_22 : vector<4096x64xi1> to vector<4096x64xi32>
    %broadcast_in_dim3A_23 = arith.constant 0 : i32
    %broadcast_in_dim3A_24 = vector.broadcast %broadcast_in_dim3A_23 : i32 to vector<1x64xi32>
    %slice3A = vector.extract_strided_slice %convert_element_type3A {offsets = [0, 0], sizes = [4095, 64], strides = [1, 1]} : vector<4096x64xi32> to vector<4095x64xi32>
    %concatenate3A = tpu.concatenate %broadcast_in_dim3A_24, %slice3A in 0 : vector<1x64xi32>, vector<4095x64xi32> -> vector<4096x64xi32>
    %add3A_25 = arith.addi %convert_element_type3A, %concatenate3A : vector<4096x64xi32>
    %broadcast_in_dim3A_26 = arith.constant 0 : i32
    %broadcast_in_dim3A_27 = vector.broadcast %broadcast_in_dim3A_26 : i32 to vector<2x64xi32>
    %slice3A_28 = vector.extract_strided_slice %add3A_25 {offsets = [0, 0], sizes = [4094, 64], strides = [1, 1]} : vector<4096x64xi32> to vector<4094x64xi32>
    %concatenate3A_29 = tpu.concatenate %broadcast_in_dim3A_27, %slice3A_28 in 0 : vector<2x64xi32>, vector<4094x64xi32> -> vector<4096x64xi32>
    %add3A_30 = arith.addi %add3A_25, %concatenate3A_29 : vector<4096x64xi32>
    %broadcast_in_dim3A_31 = arith.constant 0 : i32
    %broadcast_in_dim3A_32 = vector.broadcast %broadcast_in_dim3A_31 : i32 to vector<4x64xi32>
    %slice3A_33 = vector.extract_strided_slice %add3A_30 {offsets = [0, 0], sizes = [4092, 64], strides = [1, 1]} : vector<4096x64xi32> to vector<4092x64xi32>
    %concatenate3A_34 = tpu.concatenate %broadcast_in_dim3A_32, %slice3A_33 in 0 : vector<4x64xi32>, vector<4092x64xi32> -> vector<4096x64xi32>
    %add3A_35 = arith.addi %add3A_30, %concatenate3A_34 : vector<4096x64xi32>
    %broadcast_in_dim3A_36 = arith.constant 0 : i32
    %broadcast_in_dim3A_37 = vector.broadcast %broadcast_in_dim3A_36 : i32 to vector<8x64xi32>
    %slice3A_38 = vector.extract_strided_slice %add3A_35 {offsets = [0, 0], sizes = [4088, 64], strides = [1, 1]} : vector<4096x64xi32> to vector<4088x64xi32>
    %concatenate3A_39 = tpu.concatenate %broadcast_in_dim3A_37, %slice3A_38 in 0 : vector<8x64xi32>, vector<4088x64xi32> -> vector<4096x64xi32>
    %add3A_40 = arith.addi %add3A_35, %concatenate3A_39 : vector<4096x64xi32>
    %broadcast_in_dim3A_41 = arith.constant 0 : i32
    %broadcast_in_dim3A_42 = vector.broadcast %broadcast_in_dim3A_41 : i32 to vector<16x64xi32>
    %slice3A_43 = vector.extract_strided_slice %add3A_40 {offsets = [0, 0], sizes = [4080, 64], strides = [1, 1]} : vector<4096x64xi32> to vector<4080x64xi32>
    %concatenate3A_44 = tpu.concatenate %broadcast_in_dim3A_42, %slice3A_43 in 0 : vector<16x64xi32>, vector<4080x64xi32> -> vector<4096x64xi32>
    %add3A_45 = arith.addi %add3A_40, %concatenate3A_44 : vector<4096x64xi32>
    %broadcast_in_dim3A_46 = arith.constant 0 : i32
    %broadcast_in_dim3A_47 = vector.broadcast %broadcast_in_dim3A_46 : i32 to vector<32x64xi32>
    %slice3A_48 = vector.extract_strided_slice %add3A_45 {offsets = [0, 0], sizes = [4064, 64], strides = [1, 1]} : vector<4096x64xi32> to vector<4064x64xi32>
    %concatenate3A_49 = tpu.concatenate %broadcast_in_dim3A_47, %slice3A_48 in 0 : vector<32x64xi32>, vector<4064x64xi32> -> vector<4096x64xi32>
    %add3A_50 = arith.addi %add3A_45, %concatenate3A_49 : vector<4096x64xi32>
    %broadcast_in_dim3A_51 = arith.constant 0 : i32
    %broadcast_in_dim3A_52 = vector.broadcast %broadcast_in_dim3A_51 : i32 to vector<64x64xi32>
    %slice3A_53 = vector.extract_strided_slice %add3A_50 {offsets = [0, 0], sizes = [4032, 64], strides = [1, 1]} : vector<4096x64xi32> to vector<4032x64xi32>
    %concatenate3A_54 = tpu.concatenate %broadcast_in_dim3A_52, %slice3A_53 in 0 : vector<64x64xi32>, vector<4032x64xi32> -> vector<4096x64xi32>
    %add3A_55 = arith.addi %add3A_50, %concatenate3A_54 : vector<4096x64xi32>
    %broadcast_in_dim3A_56 = arith.constant 0 : i32
    %broadcast_in_dim3A_57 = vector.broadcast %broadcast_in_dim3A_56 : i32 to vector<128x64xi32>
    %slice3A_58 = vector.extract_strided_slice %add3A_55 {offsets = [0, 0], sizes = [3968, 64], strides = [1, 1]} : vector<4096x64xi32> to vector<3968x64xi32>
    %concatenate3A_59 = tpu.concatenate %broadcast_in_dim3A_57, %slice3A_58 in 0 : vector<128x64xi32>, vector<3968x64xi32> -> vector<4096x64xi32>
    %add3A_60 = arith.addi %add3A_55, %concatenate3A_59 : vector<4096x64xi32>
    %broadcast_in_dim3A_61 = arith.constant 0 : i32
    %broadcast_in_dim3A_62 = vector.broadcast %broadcast_in_dim3A_61 : i32 to vector<256x64xi32>
    %slice3A_63 = vector.extract_strided_slice %add3A_60 {offsets = [0, 0], sizes = [3840, 64], strides = [1, 1]} : vector<4096x64xi32> to vector<3840x64xi32>
    %concatenate3A_64 = tpu.concatenate %broadcast_in_dim3A_62, %slice3A_63 in 0 : vector<256x64xi32>, vector<3840x64xi32> -> vector<4096x64xi32>
    %add3A_65 = arith.addi %add3A_60, %concatenate3A_64 : vector<4096x64xi32>
    %broadcast_in_dim3A_66 = arith.constant 0 : i32
    %broadcast_in_dim3A_67 = vector.broadcast %broadcast_in_dim3A_66 : i32 to vector<512x64xi32>
    %slice3A_68 = vector.extract_strided_slice %add3A_65 {offsets = [0, 0], sizes = [3584, 64], strides = [1, 1]} : vector<4096x64xi32> to vector<3584x64xi32>
    %concatenate3A_69 = tpu.concatenate %broadcast_in_dim3A_67, %slice3A_68 in 0 : vector<512x64xi32>, vector<3584x64xi32> -> vector<4096x64xi32>
    %add3A_70 = arith.addi %add3A_65, %concatenate3A_69 : vector<4096x64xi32>
    %broadcast_in_dim3A_71 = arith.constant 0 : i32
    %broadcast_in_dim3A_72 = vector.broadcast %broadcast_in_dim3A_71 : i32 to vector<1024x64xi32>
    %slice3A_73 = vector.extract_strided_slice %add3A_70 {offsets = [0, 0], sizes = [3072, 64], strides = [1, 1]} : vector<4096x64xi32> to vector<3072x64xi32>
    %concatenate3A_74 = tpu.concatenate %broadcast_in_dim3A_72, %slice3A_73 in 0 : vector<1024x64xi32>, vector<3072x64xi32> -> vector<4096x64xi32>
    %add3A_75 = arith.addi %add3A_70, %concatenate3A_74 : vector<4096x64xi32>
    %broadcast_in_dim3A_76 = arith.constant 0 : i32
    %broadcast_in_dim3A_77 = vector.broadcast %broadcast_in_dim3A_76 : i32 to vector<2048x64xi32>
    %slice3A_78 = vector.extract_strided_slice %add3A_75 {offsets = [0, 0], sizes = [2048, 64], strides = [1, 1]} : vector<4096x64xi32> to vector<2048x64xi32>
    %concatenate3A_79 = tpu.concatenate %broadcast_in_dim3A_77, %slice3A_78 in 0 : vector<2048x64xi32>, vector<2048x64xi32> -> vector<4096x64xi32>
    %add3A_80 = arith.addi %add3A_75, %concatenate3A_79 : vector<4096x64xi32>
    %slice3A_81 = vector.extract_strided_slice %add3A_80 {offsets = [4095, 0], sizes = [1, 64], strides = [1, 1]} : vector<4096x64xi32> to vector<1x64xi32>
    %add3A_82 = arith.constant 128 : i32
    %add3A_83 = vector.broadcast %add3A_82 : i32 to vector<1x64xi32>
    %add3A_84 = arith.addi %slice3A_81, %add3A_83 : vector<1x64xi32>
    %sub3A_85 = arith.constant 1 : i32
    %sub3A_86 = vector.broadcast %sub3A_85 : i32 to vector<1x64xi32>
    %sub3A_87 = arith.subi %add3A_84, %sub3A_86 : vector<1x64xi32>
    %jit3A_88 = arith.constant 128 : i32
    %div3A_89 = vector.broadcast %jit3A_88 : i32 to vector<1x64xi32>
    %div3A_90 = arith.divsi %sub3A_87, %div3A_89 : vector<1x64xi32>
    %sign3A = arith.constant 0 : i32
    %sign3A_91 = vector.broadcast %sign3A : i32 to vector<1x64xi32>
    %sign3A_92 = arith.cmpi sgt, %sub3A_87, %sign3A_91 : vector<1x64xi32>
    %sign3A_93 = arith.extui %sign3A_92 : vector<1x64xi1> to vector<1x64xi32>
    %sign3A_94 = arith.constant 0 : i32
    %sign3A_95 = vector.broadcast %sign3A_94 : i32 to vector<1x64xi32>
    %sign3A_96 = arith.cmpi slt, %sub3A_87, %sign3A_95 : vector<1x64xi32>
    %sign3A_97 = arith.extui %sign3A_96 : vector<1x64xi1> to vector<1x64xi32>
    %sign3A_98 = arith.subi %sign3A_93, %sign3A_97 : vector<1x64xi32>
    %sign3A_99 = arith.constant 0 : i32
    %sign3A_100 = arith.cmpi sgt, %jit3A_88, %sign3A_99 : i32
    %sign3A_101 = arith.extui %sign3A_100 : i1 to i32
    %sign3A_102 = arith.constant 0 : i32
    %sign3A_103 = arith.cmpi slt, %jit3A_88, %sign3A_102 : i32
    %sign3A_104 = arith.extui %sign3A_103 : i1 to i32
    %sign3A_105 = arith.subi %sign3A_101, %sign3A_104 : i32
    %ne3A = vector.broadcast %sign3A_105 : i32 to vector<1x64xi32>
    %ne3A_106 = arith.cmpi ne, %sign3A_98, %ne3A : vector<1x64xi32>
    %rem3A = vector.broadcast %jit3A_88 : i32 to vector<1x64xi32>
    %rem3A_107 = arith.remsi %sub3A_87, %rem3A : vector<1x64xi32>
    %ne3A_108 = arith.constant 0 : i32
    %ne3A_109 = vector.broadcast %ne3A_108 : i32 to vector<1x64xi32>
    %ne3A_110 = arith.cmpi ne, %rem3A_107, %ne3A_109 : vector<1x64xi32>
    %and3A = arith.andi %ne3A_106, %ne3A_110 : vector<1x64xi1>
    %sub3A_111 = arith.constant 1 : i32
    %sub3A_112 = vector.broadcast %sub3A_111 : i32 to vector<1x64xi32>
    %sub3A_113 = arith.subi %div3A_90, %sub3A_112 : vector<1x64xi32>
    %select_n3A_114 = arith.select %and3A, %sub3A_113, %div3A_90 : vector<1x64xi1>, vector<1x64xi32>
    %broadcast_in_dim3A_115 = arith.constant 0 : i32
    %broadcast_in_dim3A_116 = vector.broadcast %broadcast_in_dim3A_115 : i32 to vector<1x1xi32>
    %slice3A_117 = vector.extract_strided_slice %select_n3A_114 {offsets = [0, 0], sizes = [1, 63], strides = [1, 1]} : vector<1x64xi32> to vector<1x63xi32>
    %concatenate3A_118 = tpu.concatenate %broadcast_in_dim3A_116, %slice3A_117 in 1 : vector<1x1xi32>, vector<1x63xi32> -> vector<1x64xi32>
    %add3A_119 = arith.addi %select_n3A_114, %concatenate3A_118 : vector<1x64xi32>
    %broadcast_in_dim3A_120 = arith.constant 0 : i32
    %broadcast_in_dim3A_121 = vector.broadcast %broadcast_in_dim3A_120 : i32 to vector<1x2xi32>
    %slice3A_122 = vector.extract_strided_slice %add3A_119 {offsets = [0, 0], sizes = [1, 62], strides = [1, 1]} : vector<1x64xi32> to vector<1x62xi32>
    %concatenate3A_123 = tpu.concatenate %broadcast_in_dim3A_121, %slice3A_122 in 1 : vector<1x2xi32>, vector<1x62xi32> -> vector<1x64xi32>
    %add3A_124 = arith.addi %add3A_119, %concatenate3A_123 : vector<1x64xi32>
    %broadcast_in_dim3A_125 = arith.constant 0 : i32
    %broadcast_in_dim3A_126 = vector.broadcast %broadcast_in_dim3A_125 : i32 to vector<1x4xi32>
    %slice3A_127 = vector.extract_strided_slice %add3A_124 {offsets = [0, 0], sizes = [1, 60], strides = [1, 1]} : vector<1x64xi32> to vector<1x60xi32>
    %concatenate3A_128 = tpu.concatenate %broadcast_in_dim3A_126, %slice3A_127 in 1 : vector<1x4xi32>, vector<1x60xi32> -> vector<1x64xi32>
    %add3A_129 = arith.addi %add3A_124, %concatenate3A_128 : vector<1x64xi32>
    %broadcast_in_dim3A_130 = arith.constant 0 : i32
    %broadcast_in_dim3A_131 = vector.broadcast %broadcast_in_dim3A_130 : i32 to vector<1x8xi32>
    %slice3A_132 = vector.extract_strided_slice %add3A_129 {offsets = [0, 0], sizes = [1, 56], strides = [1, 1]} : vector<1x64xi32> to vector<1x56xi32>
    %concatenate3A_133 = tpu.concatenate %broadcast_in_dim3A_131, %slice3A_132 in 1 : vector<1x8xi32>, vector<1x56xi32> -> vector<1x64xi32>
    %add3A_134 = arith.addi %add3A_129, %concatenate3A_133 : vector<1x64xi32>
    %broadcast_in_dim3A_135 = arith.constant 0 : i32
    %broadcast_in_dim3A_136 = vector.broadcast %broadcast_in_dim3A_135 : i32 to vector<1x16xi32>
    %slice3A_137 = vector.extract_strided_slice %add3A_134 {offsets = [0, 0], sizes = [1, 48], strides = [1, 1]} : vector<1x64xi32> to vector<1x48xi32>
    %concatenate3A_138 = tpu.concatenate %broadcast_in_dim3A_136, %slice3A_137 in 1 : vector<1x16xi32>, vector<1x48xi32> -> vector<1x64xi32>
    %add3A_139 = arith.addi %add3A_134, %concatenate3A_138 : vector<1x64xi32>
    %broadcast_in_dim3A_140 = arith.constant 0 : i32
    %broadcast_in_dim3A_141 = vector.broadcast %broadcast_in_dim3A_140 : i32 to vector<1x32xi32>
    %slice3A_142 = vector.extract_strided_slice %add3A_139 {offsets = [0, 0], sizes = [1, 32], strides = [1, 1]} : vector<1x64xi32> to vector<1x32xi32>
    %concatenate3A_143 = tpu.concatenate %broadcast_in_dim3A_141, %slice3A_142 in 1 : vector<1x32xi32>, vector<1x32xi32> -> vector<1x64xi32>
    %add3A_144 = arith.addi %add3A_139, %concatenate3A_143 : vector<1x64xi32>
    %sub3A_145 = arith.subi %add3A_144, %select_n3A_114 : vector<1x64xi32>
    %ne3A_146 = arith.constant 0 : i32
    %ne3A_147 = vector.broadcast %ne3A_146 : i32 to vector<4096x64xi32>
    %ne3A_148 = arith.cmpi ne, %convert_element_type3A, %ne3A_147 : vector<4096x64xi32>
    %mul3A = arith.constant 128 : i32
    %mul3A_149 = vector.broadcast %mul3A : i32 to vector<1x64xi32>
    %mul3A_150 = arith.muli %mul3A_149, %sub3A_145 : vector<1x64xi32>
    %add3A_151 = vector.broadcast %mul3A_150 : vector<1x64xi32> to vector<4096x64xi32>
    %add3A_152 = arith.addi %add3A_80, %add3A_151 : vector<4096x64xi32>
    %jit3A_153 = arith.constant 0 : i32
    %broadcast_in_dim3A_154 = vector.broadcast %jit3A_153 : i32 to vector<4096x64xi32>
    %select_n3A_155 = arith.select %ne3A_148, %add3A_152, %broadcast_in_dim3A_154 : vector<4096x64xi1>, vector<4096x64xi32>
    %reduce_sum3A_156 = arith.constant dense<0> : vector<4096xi32>
    %reduce_sum3A_157 = vector.multi_reduction <add>, %select_n3A_155, %reduce_sum3A_156 [1] : vector<4096x64xi32> to vector<4096xi32>
    %sub3A_158 = arith.constant 1 : i32
    %sub3A_159 = vector.broadcast %sub3A_158 : i32 to vector<4096xi32>
    %sub3A_160 = arith.subi %reduce_sum3A_157, %sub3A_159 : vector<4096xi32>
    %swap3A = arith.constant 0 : index
    %swap3A_161 = vector.load %arg3[%swap3A] : memref<4096xi32, #tpu.memory_space<vmem>>, vector<4096xi32>
    tpu.vector_store %arg3[%swap3A], %sub3A_160 {strides = array<i32>} : memref<4096xi32, #tpu.memory_space<vmem>>, vector<4096xi32>,
    %convert_element_type3A_162 = arith.truncf %reshape3A : vector<4096x768xf32> to vector<4096x768xbf16>
    %slice3A_163 = vector.extract_strided_slice %convert_element_type3A_162 {offsets = [0, 0], sizes = [4096, 384], strides = [1, 1]} : vector<4096x768xbf16> to vector<4096x384xbf16>
    %bitcast_convert_type3A = tpu.bitcast %slice3A_163 : vector<4096x384xbf16> -> vector<4096x384xi16>
    %convert_element_type3A_164 = arith.extui %bitcast_convert_type3A : vector<4096x384xi16> to vector<4096x384xi32>
    %slice3A_165 = vector.extract_strided_slice %convert_element_type3A_162 {offsets = [0, 384], sizes = [4096, 384], strides = [1, 1]} : vector<4096x768xbf16> to vector<4096x384xbf16>
    %bitcast_convert_type3A_166 = tpu.bitcast %slice3A_165 : vector<4096x384xbf16> -> vector<4096x384xi16>
    %convert_element_type3A_167 = arith.extui %bitcast_convert_type3A_166 : vector<4096x384xi16> to vector<4096x384xi32>
    %shift_left3A = arith.constant 16 : i32
    %shift_left3A_168 = vector.broadcast %shift_left3A : i32 to vector<4096x384xi32>
    %shift_left3A_169 = arith.shli %convert_element_type3A_167, %shift_left3A_168 : vector<4096x384xi32>
    %or3A = arith.ori %convert_element_type3A_164, %shift_left3A_169 : vector<4096x384xi32>
    %convert_element_type3A_170 = arith.truncf %div3A_20 : vector<4096x1xf32> to vector<4096x1xbf16>
    %bitcast_convert_type3A_171 = tpu.bitcast %convert_element_type3A_170 : vector<4096x1xbf16> -> vector<4096x1xi16>
    %convert_element_type3A_172 = arith.extui %bitcast_convert_type3A_171 : vector<4096x1xi16> to vector<4096x1xi32>
    %shift_left3A_173 = arith.constant 16 : i32
    %shift_left3A_174 = vector.broadcast %shift_left3A_173 : i32 to vector<4096x1xi32>
    %shift_left3A_175 = arith.shli %convert_element_type3A_172, %shift_left3A_174 : vector<4096x1xi32>
    %or3A_176 = arith.ori %convert_element_type3A_172, %shift_left3A_175 : vector<4096x1xi32>
    %broadcast_in_dim3A_177 = vector.shape_cast %or3A_176 : vector<4096x1xi32> to vector<4096x1xi32>
    %broadcast_in_dim3A_178 = vector.broadcast %broadcast_in_dim3A_177 : vector<4096x1xi32> to vector<4096x128xi32>
    %concatenate3A_179 = tpu.concatenate %or3A, %broadcast_in_dim3A_178 in 1 : vector<4096x384xi32>, vector<4096x128xi32> -> vector<4096x512xi32>
    %bitcast_convert_type3A_180 = tpu.bitcast %concatenate3A_179 : vector<4096x512xi32> -> vector<4096x512xi32>
    %swap3A_181 = arith.constant 0 : index
    %swap3A_182 = arith.constant 0 : index
    %swap3A_183 = vector.load %arg4[%swap3A_181, %swap3A_182] : memref<4096x512xi32, #tpu.memory_space<vmem>>, vector<4096x512xi32>
    tpu.vector_store %arg4[%swap3A_181, %swap3A_182], %bitcast_convert_type3A_180 {strides = array<i32>} : memref<4096x512xi32, #tpu.memory_space<vmem>>, vector<4096x512xi32>,
    %iota3A_184 = tpu.iota {dimensions = array<i32: 0>} : vector<96x64xi32>
    %broadcast_in_dim3A_185 = vector.shape_cast %add3A_144 : vector<1x64xi32> to vector<1x64xi32>
    %broadcast_in_dim3A_186 = vector.broadcast %broadcast_in_dim3A_185 : vector<1x64xi32> to vector<96x64xi32>
    %le3A = arith.cmpi sle, %broadcast_in_dim3A_186, %iota3A_184 : vector<96x64xi32>
    %convert_element_type3A_187 = arith.extui %le3A : vector<96x64xi1> to vector<96x64xi32>
    %reduce_sum3A_188 = arith.constant dense<0> : vector<96xi32>
    %reduce_sum3A_189 = vector.multi_reduction <add>, %convert_element_type3A_187, %reduce_sum3A_188 [1] : vector<96x64xi32> to vector<96xi32>
    %broadcast_in_dim3A_190 = vector.shape_cast %reduce_sum3A_189 : vector<96xi32> to vector<96x1xi32>
    %iota3A_191 = tpu.iota {dimensions = array<i32: 1>} : vector<1x64xi32>
    %gt3A = arith.constant 0 : i32
    %gt3A_192 = vector.broadcast %gt3A : i32 to vector<1x64xi32>
    %gt3A_193 = arith.cmpi sgt, %slice3A_81, %gt3A_192 : vector<1x64xi32>
    %jit3A_194 = arith.constant 0 : i32
    %broadcast_in_dim3A_195 = vector.broadcast %jit3A_194 : i32 to vector<1x64xi32>
    %select_n3A_196 = arith.select %gt3A_193, %iota3A_191, %broadcast_in_dim3A_195 : vector<1x64xi1>, vector<1x64xi32>
    %reduce_max3A_197 = vector.shape_cast %select_n3A_196 : vector<1x64xi32> to vector<1x1x64xi32>
    %reduce_max3A_198 = arith.constant dense<-2147483648> : vector<1xi32>
    %reduce_max3A_199 = vector.multi_reduction <maxsi>, %reduce_max3A_197, %reduce_max3A_198 [1, 2] : vector<1x1x64xi32> to vector<1xi32>
    %reduce_max3A_200 = vector.shape_cast %reduce_max3A_199 : vector<1xi32> to vector<1x1x1xi32>
    %reduce_max3A_201 = vector.extract %reduce_max3A_200[0, 0, 0] : i32 from vector<1x1x1xi32>
    %min3A = vector.broadcast %reduce_max3A_201 : i32 to vector<96x1xi32>
    %min3A_202 = arith.minsi %broadcast_in_dim3A_190, %min3A : vector<96x1xi32>
    %slice3A_203 = vector.extract_strided_slice %add3A_144 {offsets = [0, 63], sizes = [1, 1], strides = [1, 1]} : vector<1x64xi32> to vector<1x1xi32>
    %squeeze3A = vector.extract %slice3A_203[0, 0] : i32 from vector<1x1xi32>
    %iota3A_204 = tpu.iota {dimensions = array<i32: 0>} : vector<96x1xi32>
    %lt3A = vector.broadcast %squeeze3A : i32 to vector<96x1xi32>
    %lt3A_205 = arith.cmpi slt, %iota3A_204, %lt3A : vector<96x1xi32>
    %sub3A_206 = arith.constant 1 : i32
    %sub3A_207 = arith.subi %squeeze3A, %sub3A_206 : i32
    %broadcast_in_dim3A_208 = vector.broadcast %sub3A_207 : i32 to vector<96x1xi32>
    %select_n3A_209 = arith.select %lt3A_205, %iota3A_204, %broadcast_in_dim3A_208 : vector<96x1xi1>, vector<96x1xi32>
    %concatenate3A_210 = tpu.concatenate %min3A_202, %select_n3A_209 in 0 : vector<96x1xi32>, vector<96x1xi32> -> vector<192x1xi32>
    %reshape3A_211 = vector.shape_cast %concatenate3A_210 : vector<192x1xi32> to vector<192xi32>
    %swap3A_212 = arith.constant 0 : index
    %swap3A_213 = vector.load %arg5[%swap3A_212] : memref<192xi32, #tpu.memory_space<vmem>>, vector<192xi32>
    tpu.vector_store %arg5[%swap3A_212], %reshape3A_211 {strides = array<i32>} : memref<192xi32, #tpu.memory_space<vmem>>, vector<192xi32>,
    return
  }
}

module attributes {stable_mosaic.version = 14 : i64} {
  func.func @_ffn_body(%arg0: i32, %arg1: memref<192xi32, #tpu.memory_space<smem>>, %arg2: memref<128x512xi32, #tpu.memory_space<vmem>>, %arg3: memref<1x768x1536xf32, #tpu.memory_space<vmem>>, %arg4: memref<1x1x1536xf32, #tpu.memory_space<vmem>>, %arg5: memref<1x1536x768xf32, #tpu.memory_space<vmem>>, %arg6: memref<1x1x768xf32, #tpu.memory_space<vmem>>, %arg7: memref<128x768xf32, #tpu.memory_space<vmem>>) attributes {dimension_semantics = [#tpu.dimension_semantics<arbitrary>], iteration_bounds = array<i64: 96>, scalar_prefetch = 1 : i64, scratch_operands = 0 : i64, tpu.core_type = #tpu.core_type<tc>, window_params = [{transform_indices = @transform_0, window_bounds = array<i64: 128, 512>}, {transform_indices = @transform_1, window_bounds = array<i64: 1, 768, 1536>}, {transform_indices = @transform_2, window_bounds = array<i64: 1, 1, 1536>}, {transform_indices = @transform_3, window_bounds = array<i64: 1, 1536, 768>}, {transform_indices = @transform_4, window_bounds = array<i64: 1, 1, 768>}, {transform_indices = @transform_5, window_bounds = array<i64: 128, 768>}]} {
    %get3A = arith.constant 0 : index
    %get3A_0 = arith.constant 0 : index
    %get3A_1 = vector.load %arg2[%get3A, %get3A_0] : memref<128x512xi32, #tpu.memory_space<vmem>>, vector<128x512xi32>
    %bitcast_convert_type3A = tpu.bitcast %get3A_1 : vector<128x512xi32> -> vector<128x512xi32>
    %slice3A = vector.extract_strided_slice %bitcast_convert_type3A {offsets = [0, 0], sizes = [128, 384], strides = [1, 1]} : vector<128x512xi32> to vector<128x384xi32>
    %and3A = arith.constant 65535 : i32
    %and3A_2 = vector.broadcast %and3A : i32 to vector<128x384xi32>
    %and3A_3 = arith.andi %slice3A, %and3A_2 : vector<128x384xi32>
    %convert_element_type3A = arith.trunci %and3A_3 : vector<128x384xi32> to vector<128x384xi16>
    %bitcast_convert_type3A_4 = tpu.bitcast %convert_element_type3A : vector<128x384xi16> -> vector<128x384xbf16>
    %convert_element_type3A_5 = arith.extf %bitcast_convert_type3A_4 : vector<128x384xbf16> to vector<128x384xf32>
    %shift_right_logical3A = arith.constant 16 : i32
    %shift_right_logical3A_6 = vector.broadcast %shift_right_logical3A : i32 to vector<128x384xi32>
    %shift_right_logical3A_7 = arith.shrui %slice3A, %shift_right_logical3A_6 : vector<128x384xi32>
    %convert_element_type3A_8 = arith.trunci %shift_right_logical3A_7 : vector<128x384xi32> to vector<128x384xi16>
    %bitcast_convert_type3A_9 = tpu.bitcast %convert_element_type3A_8 : vector<128x384xi16> -> vector<128x384xbf16>
    %convert_element_type3A_10 = arith.extf %bitcast_convert_type3A_9 : vector<128x384xbf16> to vector<128x384xf32>
    %concatenate3A = tpu.concatenate %convert_element_type3A_5, %convert_element_type3A_10 in 1 : vector<128x384xf32>, vector<128x384xf32> -> vector<128x768xf32>
    %slice3A_11 = vector.extract_strided_slice %bitcast_convert_type3A {offsets = [0, 384], sizes = [128, 1], strides = [1, 1]} : vector<128x512xi32> to vector<128x1xi32>
    %and3A_12 = arith.constant 65535 : i32
    %and3A_13 = vector.broadcast %and3A_12 : i32 to vector<128x1xi32>
    %and3A_14 = arith.andi %slice3A_11, %and3A_13 : vector<128x1xi32>
    %convert_element_type3A_15 = arith.trunci %and3A_14 : vector<128x1xi32> to vector<128x1xi16>
    %bitcast_convert_type3A_16 = tpu.bitcast %convert_element_type3A_15 : vector<128x1xi16> -> vector<128x1xbf16>
    %convert_element_type3A_17 = arith.extf %bitcast_convert_type3A_16 : vector<128x1xbf16> to vector<128x1xf32>
    %get3A_18 = arith.constant 0 : index
    %get3A_19 = arith.constant 0 : index
    %get3A_20 = arith.constant 0 : index
    %get3A_21 = vector.load %arg3[%get3A_18, %get3A_19, %get3A_20] : memref<1x768x1536xf32, #tpu.memory_space<vmem>>, vector<1x768x1536xf32>
    %get3A_22 = vector.shape_cast %get3A_21 : vector<1x768x1536xf32> to vector<768x1536xf32>
    %dot_general3A = arith.constant dense<0.000000e+00> : vector<128x1536xf32>
    %dot_general3A_23 = tpu.matmul %concatenate3A, %get3A_22, %dot_general3A {dimension_numbers = #tpu.dot_dimension_numbers<[1], [0], [0], [1], [0, 0, 1, 1], [], []>, transpose_lhs_hint = false} : vector<128x768xf32>, vector<768x1536xf32>, vector<128x1536xf32> -> vector<128x1536xf32>
    %get3A_24 = arith.constant 0 : index
    %get3A_25 = arith.constant 0 : index
    %get3A_26 = arith.constant 0 : index
    %get3A_27 = vector.load %arg4[%get3A_24, %get3A_25, %get3A_26] : memref<1x1x1536xf32, #tpu.memory_space<vmem>>, vector<1x1x1536xf32>
    %get3A_28 = vector.shape_cast %get3A_27 : vector<1x1x1536xf32> to vector<1x1536xf32>
    %add3A = vector.broadcast %get3A_28 : vector<1x1536xf32> to vector<128x1536xf32>
    %add3A_29 = arith.addf %dot_general3A_23, %add3A : vector<128x1536xf32>
    %mul3A = arith.constant 5.000000e-01 : f32
    %mul3A_30 = vector.broadcast %mul3A : f32 to vector<128x1536xf32>
    %mul3A_31 = arith.mulf %mul3A_30, %add3A_29 : vector<128x1536xf32>
    %mul3A_32 = arith.constant 0.707106769 : f32
    %mul3A_33 = vector.broadcast %mul3A_32 : f32 to vector<128x1536xf32>
    %mul3A_34 = arith.mulf %add3A_29, %mul3A_33 : vector<128x1536xf32>
    %erf3A = math.erf %mul3A_34 : vector<128x1536xf32>
    %add3A_35 = arith.constant 1.000000e+00 : f32
    %add3A_36 = vector.broadcast %add3A_35 : f32 to vector<128x1536xf32>
    %add3A_37 = arith.addf %add3A_36, %erf3A : vector<128x1536xf32>
    %mul3A_38 = arith.mulf %mul3A_31, %add3A_37 : vector<128x1536xf32>
    %get3A_39 = arith.constant 0 : index
    %get3A_40 = arith.constant 0 : index
    %get3A_41 = arith.constant 0 : index
    %get3A_42 = vector.load %arg5[%get3A_39, %get3A_40, %get3A_41] : memref<1x1536x768xf32, #tpu.memory_space<vmem>>, vector<1x1536x768xf32>
    %get3A_43 = vector.shape_cast %get3A_42 : vector<1x1536x768xf32> to vector<1536x768xf32>
    %dot_general3A_44 = arith.constant dense<0.000000e+00> : vector<128x768xf32>
    %dot_general3A_45 = tpu.matmul %mul3A_38, %get3A_43, %dot_general3A_44 {dimension_numbers = #tpu.dot_dimension_numbers<[1], [0], [0], [1], [0, 0, 1, 1], [], []>, transpose_lhs_hint = false} : vector<128x1536xf32>, vector<1536x768xf32>, vector<128x768xf32> -> vector<128x768xf32>
    %get3A_46 = arith.constant 0 : index
    %get3A_47 = arith.constant 0 : index
    %get3A_48 = arith.constant 0 : index
    %get3A_49 = vector.load %arg6[%get3A_46, %get3A_47, %get3A_48] : memref<1x1x768xf32, #tpu.memory_space<vmem>>, vector<1x1x768xf32>
    %get3A_50 = vector.shape_cast %get3A_49 : vector<1x1x768xf32> to vector<1x768xf32>
    %add3A_51 = vector.broadcast %get3A_50 : vector<1x768xf32> to vector<128x768xf32>
    %add3A_52 = arith.addf %dot_general3A_45, %add3A_51 : vector<128x768xf32>
    %mul3A_53 = vector.broadcast %convert_element_type3A_17 : vector<128x1xf32> to vector<128x768xf32>
    %mul3A_54 = arith.mulf %add3A_52, %mul3A_53 : vector<128x768xf32>
    %swap3A = arith.constant 0 : index
    %swap3A_55 = arith.constant 0 : index
    %swap3A_56 = vector.load %arg7[%swap3A, %swap3A_55] : memref<128x768xf32, #tpu.memory_space<vmem>>, vector<128x768xf32>
    tpu.vector_store %arg7[%swap3A, %swap3A_55], %mul3A_54 {strides = array<i32>} : memref<128x768xf32, #tpu.memory_space<vmem>>, vector<128x768xf32>,
    return
  }
  func.func @transform_0(%arg0: i32, %arg1: memref<192xi32, #tpu.memory_space<smem>>) -> (i32, i32) {
    %add3A = arith.constant 96 : i32
    %add3A_0 = arith.addi %add3A, %arg0 : i32
    %get3A = arith.index_cast %add3A_0 : i32 to index
    %get3A_1 = memref.load %arg1[%get3A] : memref<192xi32, #tpu.memory_space<smem>>
    %c0_i32 = arith.constant 0 : i32
    %c0_i32_2 = arith.constant 0 : i32
    return %get3A_1, %c0_i32 : i32, i32
  }
  func.func @transform_1(%arg0: i32, %arg1: memref<192xi32, #tpu.memory_space<smem>>) -> (i32, i32, i32) {
    %get3A = arith.index_cast %arg0 : i32 to index
    %get3A_0 = memref.load %arg1[%get3A] : memref<192xi32, #tpu.memory_space<smem>>
    %c0_i32 = arith.constant 0 : i32
    %c0_i32_1 = arith.constant 0 : i32
    %c0_i32_2 = arith.constant 0 : i32
    return %get3A_0, %c0_i32, %c0_i32_1 : i32, i32, i32
  }
  func.func @transform_2(%arg0: i32, %arg1: memref<192xi32, #tpu.memory_space<smem>>) -> (i32, i32, i32) {
    %get3A = arith.index_cast %arg0 : i32 to index
    %get3A_0 = memref.load %arg1[%get3A] : memref<192xi32, #tpu.memory_space<smem>>
    %c0_i32 = arith.constant 0 : i32
    %c0_i32_1 = arith.constant 0 : i32
    %c0_i32_2 = arith.constant 0 : i32
    return %get3A_0, %c0_i32, %c0_i32_1 : i32, i32, i32
  }
  func.func @transform_3(%arg0: i32, %arg1: memref<192xi32, #tpu.memory_space<smem>>) -> (i32, i32, i32) {
    %get3A = arith.index_cast %arg0 : i32 to index
    %get3A_0 = memref.load %arg1[%get3A] : memref<192xi32, #tpu.memory_space<smem>>
    %c0_i32 = arith.constant 0 : i32
    %c0_i32_1 = arith.constant 0 : i32
    %c0_i32_2 = arith.constant 0 : i32
    return %get3A_0, %c0_i32, %c0_i32_1 : i32, i32, i32
  }
  func.func @transform_4(%arg0: i32, %arg1: memref<192xi32, #tpu.memory_space<smem>>) -> (i32, i32, i32) {
    %get3A = arith.index_cast %arg0 : i32 to index
    %get3A_0 = memref.load %arg1[%get3A] : memref<192xi32, #tpu.memory_space<smem>>
    %c0_i32 = arith.constant 0 : i32
    %c0_i32_1 = arith.constant 0 : i32
    %c0_i32_2 = arith.constant 0 : i32
    return %get3A_0, %c0_i32, %c0_i32_1 : i32, i32, i32
  }
  func.func @transform_5(%arg0: i32, %arg1: memref<192xi32, #tpu.memory_space<smem>>) -> (i32, i32) {
    %add3A = arith.constant 96 : i32
    %add3A_0 = arith.addi %add3A, %arg0 : i32
    %get3A = arith.index_cast %add3A_0 : i32 to index
    %get3A_1 = memref.load %arg1[%get3A] : memref<192xi32, #tpu.memory_space<smem>>
    %c0_i32 = arith.constant 0 : i32
    %c0_i32_2 = arith.constant 0 : i32
    return %get3A_1, %c0_i32 : i32, i32
  }
}

</mosaic_0001>

<sc_bundles>
// kernel: kernel.6.cloned.1.call-start
scs
__scs_entry_jumppad:
0x0: {  	(pc) =	sbr.rel $0x88, $3  }
0x1: {  	(tag) =	ssettag $0x0;
	lr =	simm.s32 $0x1  }
0x2: {  	[smem:$0x3F9A] =	sst lr;
	_ =	strace $0xD0000000  }
0x3: {  	_ = 	snop  }
0x4: {  	_ = 	snop  }
0x5: {  	_ = 	snop  }
0x6: {  	_ = 	snop  }
0x7: {  	_ = 	snop  }
__scs_overlays_trampoline_lowered:
0x8: {  	[smem:$0x3FA9] =	sst s0  }
0x9: {  	[smem:$0x3FAA] =	sst s1  }
0xa: {  	[smem:$0x3FAB] =	sst s2  }
0xb: {  	[smem:$0x3FAC] =	sst s3  }
0xc: {  	[smem:$0x3FAD] =	sst s4  }
0xd: {  	[smem:$0x3FAE] =	sst s5  }
0xe: {  	[smem:$0x3FAF] =	sst s6  }
0xf: {  	[smem:$0x3FB0] =	sst s7  }
0x10: {  	[smem:$0x3FB1] =	sst s8  }
0x11: {  	[smem:$0x3FB2] =	sst s9;
	s0 =	simm.s32 @!p0 $0x0  }
0x12: {  	s1 =	sld [smem:$0x3F98];
	s0 =	simm.s32 @p0 $0x1  }
0x13: {  	[smem:$0x3FB3] =	sst s0;
	s0 =	simm.s32 @!p1 $0x0  }
0x14: {  	s2 =	sld [smem:$0x3F97];
	s0 =	simm.s32 @p1 $0x1  }
0x15: {  	[smem:$0x3FB4] =	sst s0;
	s0 =	simm.s32 @!p2 $0x0  }
0x16: {  	s3 =	sld [smem:$0x3FDB];
	s0 =	simm.s32 @p2 $0x1  }
0x17: {  	s4 =	simm.s32 $0x1BF5;
	[smem:$0x3FB6] =	sst s0  }
0x18: {  	s0 =	sld [smem:$0x3F99];
	_ =	swait.ge [sflag:s4], $0x0  }
0x19: {  	s7 =	sld [smem:$0x3F9A]  }
0x1a: {  	s8 =	sadd.s32 $0xFFFFE003, lr  }
0x1b: {  	s9 =	sadd.s32 $0xFFFFFEF7, lr;
	s5 =	simm.s32 $0xFFFFFFFF;
	p2 =	slt.u32 s8, $0xFFFFF086  }
0x1c: {  	p1 =	slt.u32 s9, $0xF7A;
	s5 =	simm.s32 @!p2 $0x0  }
0x1d: {  	s5 =	simm.s32 @p1 $0x1;
	p0 =	seq.s32 s7, s2  }
0x1e: {  	s7 =	smul.u32 @!p0 $0xF7A, s2;
	p2 =	seq.s32 @!p0 s5, $0x0  }
0x1f: {  	s9 =	smul.u32 $0xF7A, s1;
	s8 =	simm.s32 @!p0 $0x1BF5;
	p2 =	por !p2, p0  }
0x20: {  	[sflag:s8] =	ssyncset.s32 @!p0 $0xFFFFF086;
	s6 =	sadd.s32 @!p0 s3, s7;
	s7 =	simm.s32 @!p0 $0x108  }
0x21: {  	s3 =	sadd.s32 s3, s9;
	s6 =	sadd.s32 @!p0 $0x88, s6;
	s7 =	simm.s32 @p2 $0x1082  }
0x22: {  	[simem:s7], [sflag:s8] =	dma.local @!p0 [hbm:s6], $0xF7A  }
0x23: {  	s9 =	sor.u32 $0xD0000000, s2;
	s6 =	simm.s32 $0x108;
	_ =	swait.ge @!p0 [sflag:s8], $0x0  }
0x24: {  	s3 =	sadd.s32 $0x88, s3;
	s6 =	simm.s32 @!p1 $0x1082;
	[sflag:s4] =	ssyncset.s32 $0xFFFFF086  }
0x25: {  	[simem:s6], [sflag:s4] =	dma.local [hbm:s3], $0xF7A  }
0x26: {  	[smem:$0x3F9A] =	sst s1;
	(tag) =	ssettag s2;
	_ =	strace s9  }
0x27: {  	s1 =	sld [smem:$0x3FAA]  }
0x28: {  	s2 =	sld [smem:$0x3FAB]  }
0x29: {  	s4 =	sld [smem:$0x3FAD]  }
0x2a: {  	p0 =	seq.s32 s5, $0x0;
	s5 =	sld [smem:$0x3FAE]  }
0x2b: {  	s6 =	sld [smem:$0x3FAF]  }
0x2c: {  	s7 =	sld [smem:$0x3FB0]  }
0x2d: {  	s3 =	simm.s32 $0x108;
	s8 =	sld [smem:$0x3FB1]  }
0x2e: {  	s3 =	simm.s32 @!p0 $0x1082;
	s9 =	sld [smem:$0x3FB2]  }
0x2f: {  	lr =	sadd.s32 s0, s3;
	s0 =	sld [smem:$0x3FA9]  }
0x30: {  	s3 =	sld [smem:$0x3FAC]  }
0x31: {  	[smem:$0x3FB5] =	sst s10  }
0x32: {  	s10 =	sld [smem:$0x3FB3];
	_ =	sdelay $0x3  }
0x33: {  	p0 =	seq.s32 s10, $0x1;
	s10 =	sld [smem:$0x3FB5];
	_ =	sdelay $0x3  }
0x34: {  	[smem:$0x3FB5] =	sst s10  }
0x35: {  	s10 =	sld [smem:$0x3FB4];
	_ =	sdelay $0x3  }
0x36: {  	p1 =	seq.s32 s10, $0x1;
	s10 =	sld [smem:$0x3FB5];
	_ =	sdelay $0x3  }
0x37: {  	[smem:$0x3FB5] =	sst s10  }
0x38: {  	s10 =	sld [smem:$0x3FB6]  }
0x39: {  	_ = 	snop;
	(pc) =	sbr.ind lr, $3  }
0x3a: {  	_ = 	snop  }
0x3b: {  	_ = 	snop  }
0x3c: {  	p2 =	seq.s32 s10, $0x1;
	s10 =	sld [smem:$0x3FB5]  }
0x3d: {  	_ =	shalt  }
0x3e: {  	_ =	shalt  }
0x3f: {  	_ =	shalt  }
0x40: {  	_ =	shalt  }
0x41: {  	_ =	shalt  }
0x42: {  	_ =	shalt  }
0x43: {  	_ =	shalt  }
0x44: {  	_ =	shalt  }
0x45: {  	_ =	shalt  }
0x46: {  	_ =	shalt  }
0x47: {  	_ =	shalt  }
0x48: {  	_ =	shalt  }
0x49: {  	_ =	shalt  }
0x4a: {  	_ =	shalt  }
0x4b: {  	_ =	shalt  }
0x4c: {  	_ =	shalt  }
0x4d: {  	_ =	shalt  }
0x4e: {  	_ =	shalt  }
0x4f: {  	_ =	shalt  }
0x50: {  	_ =	shalt  }
0x51: {  	_ =	shalt  }
0x52: {  	_ =	shalt  }
0x53: {  	_ =	shalt  }
0x54: {  	_ =	shalt  }
0x55: {  	_ =	shalt  }
0x56: {  	_ =	shalt  }
0x57: {  	_ =	shalt  }
0x58: {  	_ =	shalt  }
0x59: {  	_ =	shalt  }
0x5a: {  	_ =	shalt  }
0x5b: {  	_ =	shalt  }
0x5c: {  	_ =	shalt  }
0x5d: {  	_ =	shalt  }
0x5e: {  	_ =	shalt  }
0x5f: {  	_ =	shalt  }
0x60: {  	_ =	shalt  }
0x61: {  	_ =	shalt  }
0x62: {  	_ =	shalt  }
0x63: {  	_ =	shalt  }
0x64: {  	_ =	shalt  }
0x65: {  	_ =	shalt  }
0x66: {  	_ =	shalt  }
0x67: {  	_ =	shalt  }
0x68: {  	_ =	shalt  }
0x69: {  	_ =	shalt  }
0x6a: {  	_ =	shalt  }
0x6b: {  	_ =	shalt  }
0x6c: {  	_ =	shalt  }
0x6d: {  	_ =	shalt  }
0x6e: {  	_ =	shalt  }
0x6f: {  	_ =	shalt  }
0x70: {  	_ =	shalt  }
0x71: {  	_ =	shalt  }
0x72: {  	_ =	shalt  }
0x73: {  	_ =	shalt  }
0x74: {  	_ =	shalt  }
0x75: {  	_ =	shalt  }
0x76: {  	_ =	shalt  }
0x77: {  	_ =	shalt  }
0x78: {  	_ =	shalt  }
0x79: {  	_ =	shalt  }
0x7a: {  	_ =	shalt  }
0x7b: {  	_ =	shalt  }
0x7c: {  	_ =	shalt  }
0x7d: {  	_ =	shalt  }
0x7e: {  	_ =	shalt  }
0x7f: {  	_ =	shalt  }
0x80: {  	_ =	shalt  }
0x81: {  	_ =	shalt  }
0x82: {  	_ =	shalt  }
0x83: {  	_ =	shalt  }
0x84: {  	_ =	shalt  }
0x85: {  	_ =	shalt  }
0x86: {  	_ =	shalt  }
0x87: {  	_ =	shalt  }
.Lfunc_end0:
.L_simem_size_0:
called_computation_lowered:
.L_overlay_start_0:
0x88: {  	s2 =	sld [smem:$0x3FD9]  }
0x89: {  	s3 =	sld [smem:$0x3FFE];
	_ =	sdelay $0x1  }
0x8a: {  	s1 =	srdreg.scid  }
0x8b: {  	s0 =	sand.u32 $0x1, s1  }
0x8c: {  	s17 =	sshll.u32 s0, $0xA;
	s2 =	sadd.s32 s3, s2  }
0x8d: {  	s2 =	sadd.s32 s2, s17  }
0x8e: {  	[smem:$0x3FC1] =	sst s2  }
0x8f: {  	_ = 	snop  }
0x90: {  	s2 =	sld [smem:$0x3FD0];
	(tm) =	ssettm $0x1  }
0x91: {  	s18 =	sld [smem:$0x3FFB];
	_ =	sdelay $0x3  }
0x92: {  	_ =	strace s18  }
0x93: {  	s3 =	sld [smem:$0x3FFC];
	_ =	sdelay $0x3  }
0x94: {  	_ =	strace s3  }
0x95: {  	s3 =	sld [smem:$0x3FFD];
	_ =	sdelay $0x3  }
0x96: {  	_ =	strace s3  }
0x97: {  	_ =	strace $0x8FFFFFFF  }
0x98: {  	s19 =	sld [smem:$0x3FDB];
	_ =	sdelay $0x1  }
0x99: {  	s4 =	simm.s32 $_scs_section_size  }
0x9a: {  	s5 =	simm.s32 $_size__tile_overlayer_lowered;
	s6 =	simm.s32 $_tile_overlayer_lowered  }
0x9b: {  	s22 =	simm.s32 $0x1BFF;
	s21 =	sshll.u32 s6, $0x1;
	s3 =	sadd.s32 s4, s19  }
0x9c: {  	s7 =	simm.s32 $0x0;
	s20 =	sshll.u32 s5, $0x1;
	s5 =	sadd.s32 s21, s3  }
0x9d: {  	[timem:s7], [sflag:s22] =	dma.local [hbm:s5], s20  }
0x9e: {  	_ =	swait.ge [sflag:s22], s20  }
0x9f: {  	s4 =	ssub.s32 $0x0, s20;
	[sflag:s22] =	ssyncset.done $0x0  }
0xa0: {  	[sflag:s22] =	ssyncadd.s32 s4;
	_ =	sdelay $0x1  }
0xa1: {  	s23 =	simm.s32 $0x1B8B  }
0xa2: {  	_ =	swait.ge [sflag:s23], $0x1  }
0xa3: {  	[sflag:s23] =	ssyncset.done $0x0  }
0xa4: {  	s25 =	simm.s32 $0x1B8E;
	s24 =	sld [smem:$0x3FFE];
	[sflag:s23] =	ssyncadd.s32 $0xFFFFFFFF  }
0xa5: {  	s26 =	simm.s32 $execute0_lowered;
	[smem:$0x3FD2] =	sst s25  }
0xa6: {  	s5 =	sshll.u32 s26, $0x1;
	_ =	strace $0x80000046;
	[dreg:$0x1] =	wrdreg $0xFFFFFFFF  }
0xa7: {  	s28 =	simm.s32 $_size_execute0_lowered;
	s3 =	sadd.s32 s3, s5;
	[dreg:$0x0] =	wrdreg $0x0  }
0xa8: {  	s5 =	sshll.u32 s28, $0x1;
	[dreg:$0x2] =	wrdreg s3  }
0xa9: {  	[dreg:$0x3] =	wrdreg s5  }
0xaa: {  	[dreg:$0x4] =	wrdreg $0xC0  }
0xab: {  	_ =	task [dreg:s7], $0x5FFFF  }
0xac: {  	[dreg:$0x1] =	wrdreg $0xFFFFFFFF  }
0xad: {  	[dreg:$0x0] =	wrdreg $0x60  }
0xae: {  	[dreg:$0x2] =	wrdreg s24  }
0xaf: {  	[dreg:$0x3] =	wrdreg s2  }
0xb0: {  	[dreg:$0x4] =	wrdreg $0x9  }
0xb1: {  	_ =	task.clear_ibuf [dreg:s7], $0x5FFFF;
	_ =	strace $0x90000046  }
0xb2: {  	s29 =	simm.s32 $0x9;
	_ =	strace $0x80000048  }
0xb3: {  	_ =	swait.ge [sflag:s29], $0x1  }
0xb4: {  	[sflag:s29] =	ssyncadd.s32 $0xFFFFFFFF  }
0xb5: {  	_ =	strace $0x90000048  }
0xb6: {  	_ =	sfence  }
0xb7: {  	s30 =	sld [smem:$0x0];
	_ =	sdelay $0x2  }
0xb8: {  	s31 =	sshll.u32 s1, $0xD;
	s1 =	sshrl.u32 s1, $0x2  }
0xb9: {  	s3 =	sand.u32 $0x4000, s31;
	s1 =	sadd.s32 s1, s30  }
0xba: {  	s0 =	sor.u32 s3, s0;
	s1 =	sshll.u32 s1, $0x11  }
0xbb: {  	s0 =	sor.u32 s1, s0  }
0xbc: {  	s0 =	sadd.s32 $0x8F2B, s0  }
0xbd: {  	[sflag:s0] =	ssyncadd.remote.s32 $0x1  }
0xbe: {  	_ =	sfence.sel $0xFFFF  }
0xbf: {  	[dreg:$0x0] =	wrdreg $0xFFFFFFFF;
	(pc) =	sbr.abs _section_cstart, $3  }
0xc0: {  	[dreg:$0x1] =	wrdreg $0xFFFFFFFF  }
0xc1: {  	_ =	task.clear_ibuf [dreg:s7], $0x2FFFF;
	_ =	strace $0x9FFFFFFF  }
0xc2: {  	(tm) =	ssettm $0x7FFFFFFF  }
0xc3: {  	_ =	shalt  }
tec
execute0_lowered:
.L_overlay_start_1:
0x0: {  	(tag) =	ssettag $0x1  }
0x1: {  	s1 =	srdreg.scid;
	s4 =	rddreg [dreg:$0x0]  }
0x2: {  	s0 =	stileid.u32;
	s5 =	rddreg [dreg:$0x1];
	s18 =	simm.s32 $0x880  }
0x3: {  	s19 =	simm.s32 $0x1080;
	s20 =	simm.s32 $0x1880;
	s21 =	simm.s32 $0x2080  }
0x4: {  	s23 =	simm.s32 $0x2880;
	s24 =	simm.s32 $0x3080;
	s25 =	simm.s32 $0x3880  }
0x5: {  	s26 =	simm.s32 $0x4080;
	s7 =	simm.s32 $0x80;
	s9 =	simm.s32 $0x5080  }
0x6: {  	s10 =	simm.s32 $0x5880;
	s11 =	simm.s32 $0x6080;
	s1 =	sand.u32 $0x1, s1  }
0x7: {  	s12 =	simm.s32 $0x6880;
	s2 =	sshll.u32 s0, $0x8;
	s3 =	sshll.u32 s1, $0x7  }
0x8: {  	s13 =	simm.s32 $0x7080;
	s3 =	sor.u32 s3, s2;
	s2 =	simm.s32 $0x0  }
0x9: {  	s14 =	simm.s32 $0x7880;
	s15 =	simm.s32 $0x8080;
	[smem:$0x7FF] =	sst s2  }
0xa: {  	s16 =	simm.s32 $0x8880;
	_ =	strace $0x80000047;
	[dreg:$0x5] =	wrdreg s18  }
0xb: {  	s17 =	simm.s32 $0x9080;
	s28 =	simm.s32 $0xE080;
	[dreg:$0x6] =	wrdreg s19  }
0xc: {  	s29 =	simm.s32 $0xE880;
	s30 =	simm.s32 $0xF080;
	[dreg:$0x7] =	wrdreg s20  }
0xd: {  	s31 =	simm.s32 $0xF880;
	s1 =	ssub.s32 $0x2, s1;
	[dreg:$0x8] =	wrdreg s21  }
0xe: {  	s22 =	sshrl.u32 s1, $0x1;
	s6 =	sshrl.u32 s3, $0x3;
	[dreg:$0x9] =	wrdreg s23  }
0xf: {  	s3 =	sshll.u32 s3, $0x6;
	s1 =	ssub.s32 s1, s22;
	[dreg:$0xa] =	wrdreg s24  }
0x10: {  	s22 =	simm.s32 $0xB880;
	s6 =	sadd.s32 s6, s4;
	[dreg:$0xb] =	wrdreg s25  }
0x11: {  	s3 =	sadd.s32 s5, s3;
	s5 =	smax.u32 s1, $0x1;
	[dreg:$0xc] =	wrdreg s26  }
0x12: {  	s18 =	simm.s32 $0x9880;
	s19 =	simm.s32 $0xA080;
	s20 =	simm.s32 $0xA880  }
0x13: {  	s21 =	simm.s32 $0xB080;
	s23 =	simm.s32 $0xC080;
	s24 =	simm.s32 $0xC880  }
0x14: {  	v2 =	vlaneseq.u32;
	s25 =	simm.s32 $0xD080;
	s26 =	simm.s32 $0xD880;
	s1 =	simm.s32 $0x1  }
0x15: {  	vm0 =	vmmov $0xffff;
	v1 =	vshrl.u32 v2, $0x3;
	s6 =	sadd.s32 $0x1600, s6;
	[dreg:$0x4] =	wrdreg s3;
	s3 =	sadd.s32 $0x1800, s4  }
0x16: {  	v0 =	vand.u32 $0x7, v2;
	v2 =	vor.u32 $0x8, v2;
	v1 =	vmul.u32 $0x8, v1;
	s4 =	sadd.s32 $0x1900, s4;
	[dreg:$0x3] =	wrdreg s6;
	s6 =	simm.s32 $0x2  }
.LBB2_1:
0x17: {  	s0 =	rddreg [dreg:$0x3]  }
0x18: {  	[tilespmem:s2], [sflag:$0x2] =	stream.linear.gather [hbm4b:s0+s2], $0x80, $0x38;
	[tilespmem:$0x10080] =	vst v63  }
0x19: {  	_ =	swait.ge [sflag:s6], $0x80  }
0x1a: {  	[sflag:s6] =	ssyncset.done $0x0  }
0x1b: {  	s8 =	rddreg [dreg:$0x4];
	[sflag:s6] =	ssyncadd.s32 $0xFFFFFF80  }
0x1c: {  	[tilespmem:s7], [sflag:$0x2] =	stream.linear.gather [hbm4b:s8+s2], $0x10000, $0x38;
	[tilespmem:$0x10080] =	vst v63  }
0x1d: {  	_ =	swait.ge [sflag:s6], $0x10000  }
0x1e: {  	[sflag:s6] =	ssyncset.done $0x0  }
0x1f: {  	[sflag:s6] =	ssyncadd.s32 $0xFFFF0000  }
0x20: {  	v3 =	vld [tilespmem:$0x0];
	_ =	sdelay $0x4  }
0x21: {  	v4 =	vshll.u32 v3, $0x2  }
0x22: {  	v3 =	vand.u32 $0x7, v3;
	v4 =	vand.u32 $0xFFFFFFE0, v4  }
0x23: {  	v3 =	vor.u32 v3, v4  }
0x24: {  	v4 =	vperm.xlane v3, v0;
	_ =	sdelay $0x1  }
0x25: {  	v4 =	vadd.s32 v1, v4;
	_ =	sdelay $0x1  }
0x26: {  	v3 =	vperm.xlane v3, v2;
	_ =	sdelay $0x1  }
0x27: {  	v3 =	vadd.s32 v1, v3  }
0x28: {  	[hbm4b:s3+s2] =	stream.indirect_vreg.scatter [tilespmem:s7], [sflag:$0x1], $0x80, v4, vm0, $0xb8;
	[tilespmem:$0x10080] =	vst v63  }
0x29: {  	s0 =	rddreg [dreg:$0x5]  }
0x2a: {  	[hbm4b:s4+s2] =	stream.indirect_vreg.scatter [tilespmem:s0], [sflag:$0x1], $0x80, v4, vm0, $0xb8;
	[tilespmem:$0x10080] =	vst v63  }
0x2b: {  	s8 =	rddreg [dreg:$0x6]  }
0x2c: {  	[hbm4b:s3+s2] =	stream.indirect_vreg.scatter [tilespmem:s8], [sflag:$0x1], $0x80, v3, vm0, $0xb8;
	[tilespmem:$0x10080] =	vst v63  }
0x2d: {  	s0 =	rddreg [dreg:$0x7]  }
0x2e: {  	[hbm4b:s4+s2] =	stream.indirect_vreg.scatter [tilespmem:s0], [sflag:$0x1], $0x80, v3, vm0, $0xb8;
	[tilespmem:$0x10080] =	vst v63  }
0x2f: {  	v3 =	vld [tilespmem:$0x10];
	_ =	sdelay $0x4  }
0x30: {  	v57 =	vshll.u32 v3, $0x2  }
0x31: {  	v3 =	vand.u32 $0x7, v3;
	v4 =	vand.u32 $0xFFFFFFE0, v57  }
0x32: {  	v3 =	vor.u32 v3, v4  }
0x33: {  	v4 =	vperm.xlane v3, v0;
	_ =	sdelay $0x1  }
0x34: {  	v4 =	vadd.s32 v1, v4;
	_ =	sdelay $0x1  }
0x35: {  	v3 =	vperm.xlane v3, v2;
	_ =	sdelay $0x1  }
0x36: {  	s0 =	rddreg [dreg:$0x8];
	v3 =	vadd.s32 v1, v3  }
0x37: {  	[hbm4b:s3+s2] =	stream.indirect_vreg.scatter [tilespmem:s0], [sflag:$0x1], $0x80, v4, vm0, $0xb8;
	[tilespmem:$0x10080] =	vst v63  }
0x38: {  	s8 =	rddreg [dreg:$0x9]  }
0x39: {  	[hbm4b:s4+s2] =	stream.indirect_vreg.scatter [tilespmem:s8], [sflag:$0x1], $0x80, v4, vm0, $0xb8;
	[tilespmem:$0x10080] =	vst v63  }
0x3a: {  	s0 =	rddreg [dreg:$0xa]  }
0x3b: {  	[hbm4b:s3+s2] =	stream.indirect_vreg.scatter [tilespmem:s0], [sflag:$0x1], $0x80, v3, vm0, $0xb8;
	[tilespmem:$0x10080] =	vst v63  }
0x3c: {  	s8 =	rddreg [dreg:$0xb]  }
0x3d: {  	[hbm4b:s4+s2] =	stream.indirect_vreg.scatter [tilespmem:s8], [sflag:$0x1], $0x80, v3, vm0, $0xb8;
	[tilespmem:$0x10080] =	vst v63  }
0x3e: {  	v3 =	vld [tilespmem:$0x20];
	_ =	sdelay $0x4  }
0x3f: {  	v58 =	vshll.u32 v3, $0x2  }
0x40: {  	v3 =	vand.u32 $0x7, v3;
	v4 =	vand.u32 $0xFFFFFFE0, v58  }
0x41: {  	v3 =	vor.u32 v3, v4  }
0x42: {  	v4 =	vperm.xlane v3, v0;
	_ =	sdelay $0x1  }
0x43: {  	v4 =	vadd.s32 v1, v4;
	_ =	sdelay $0x1  }
0x44: {  	v3 =	vperm.xlane v3, v2;
	_ =	sdelay $0x1  }
0x45: {  	s8 =	rddreg [dreg:$0xc];
	v3 =	vadd.s32 v1, v3  }
0x46: {  	[hbm4b:s3+s2] =	stream.indirect_vreg.scatter [tilespmem:s8], [sflag:$0x1], $0x80, v4, vm0, $0xb8;
	[tilespmem:$0x10080] =	vst v63  }
0x47: {  	s8 =	simm.s32 $0x4880  }
0x48: {  	[hbm4b:s4+s2] =	stream.indirect_vreg.scatter [tilespmem:s8], [sflag:$0x1], $0x80, v4, vm0, $0xb8;
	[tilespmem:$0x10080] =	vst v63  }
0x49: {  	_ = 	snop  }
0x4a: {  	[hbm4b:s3+s2] =	stream.indirect_vreg.scatter [tilespmem:s9], [sflag:$0x1], $0x80, v3, vm0, $0xb8;
	[tilespmem:$0x10080] =	vst v63  }
0x4b: {  	_ = 	snop  }
0x4c: {  	[hbm4b:s4+s2] =	stream.indirect_vreg.scatter [tilespmem:s10], [sflag:$0x1], $0x80, v3, vm0, $0xb8;
	[tilespmem:$0x10080] =	vst v63  }
0x4d: {  	v3 =	vld [tilespmem:$0x30];
	_ =	sdelay $0x4  }
0x4e: {  	v59 =	vshll.u32 v3, $0x2  }
0x4f: {  	v3 =	vand.u32 $0x7, v3;
	v4 =	vand.u32 $0xFFFFFFE0, v59  }
0x50: {  	v3 =	vor.u32 v3, v4  }
0x51: {  	v4 =	vperm.xlane v3, v0;
	_ =	sdelay $0x1  }
0x52: {  	v4 =	vadd.s32 v1, v4;
	_ =	sdelay $0x1  }
0x53: {  	v3 =	vperm.xlane v3, v2;
	_ =	sdelay $0x1  }
0x54: {  	v3 =	vadd.s32 v1, v3  }
0x55: {  	[hbm4b:s3+s2] =	stream.indirect_vreg.scatter [tilespmem:s11], [sflag:$0x1], $0x80, v4, vm0, $0xb8;
	[tilespmem:$0x10080] =	vst v63  }
0x56: {  	_ = 	snop  }
0x57: {  	[hbm4b:s4+s2] =	stream.indirect_vreg.scatter [tilespmem:s12], [sflag:$0x1], $0x80, v4, vm0, $0xb8;
	[tilespmem:$0x10080] =	vst v63  }
0x58: {  	_ = 	snop  }
0x59: {  	[hbm4b:s3+s2] =	stream.indirect_vreg.scatter [tilespmem:s13], [sflag:$0x1], $0x80, v3, vm0, $0xb8;
	[tilespmem:$0x10080] =	vst v63  }
0x5a: {  	_ = 	snop  }
0x5b: {  	[hbm4b:s4+s2] =	stream.indirect_vreg.scatter [tilespmem:s14], [sflag:$0x1], $0x80, v3, vm0, $0xb8;
	[tilespmem:$0x10080] =	vst v63  }
0x5c: {  	v3 =	vld [tilespmem:$0x40];
	_ =	sdelay $0x4  }
0x5d: {  	v60 =	vshll.u32 v3, $0x2  }
0x5e: {  	v3 =	vand.u32 $0x7, v3;
	v4 =	vand.u32 $0xFFFFFFE0, v60  }
0x5f: {  	v3 =	vor.u32 v3, v4  }
0x60: {  	v4 =	vperm.xlane v3, v0;
	_ =	sdelay $0x1  }
0x61: {  	v4 =	vadd.s32 v1, v4;
	_ =	sdelay $0x1  }
0x62: {  	v3 =	vperm.xlane v3, v2;
	_ =	sdelay $0x1  }
0x63: {  	v3 =	vadd.s32 v1, v3  }
0x64: {  	[hbm4b:s3+s2] =	stream.indirect_vreg.scatter [tilespmem:s15], [sflag:$0x1], $0x80, v4, vm0, $0xb8;
	[tilespmem:$0x10080] =	vst v63  }
0x65: {  	_ = 	snop  }
0x66: {  	[hbm4b:s4+s2] =	stream.indirect_vreg.scatter [tilespmem:s16], [sflag:$0x1], $0x80, v4, vm0, $0xb8;
	[tilespmem:$0x10080] =	vst v63  }
0x67: {  	_ = 	snop  }
0x68: {  	[hbm4b:s3+s2] =	stream.indirect_vreg.scatter [tilespmem:s17], [sflag:$0x1], $0x80, v3, vm0, $0xb8;
	[tilespmem:$0x10080] =	vst v63  }
0x69: {  	_ = 	snop  }
0x6a: {  	[hbm4b:s4+s2] =	stream.indirect_vreg.scatter [tilespmem:s18], [sflag:$0x1], $0x80, v3, vm0, $0xb8;
	[tilespmem:$0x10080] =	vst v63  }
0x6b: {  	v3 =	vld [tilespmem:$0x50];
	_ =	sdelay $0x4  }
0x6c: {  	v61 =	vshll.u32 v3, $0x2  }
0x6d: {  	v3 =	vand.u32 $0x7, v3;
	v4 =	vand.u32 $0xFFFFFFE0, v61  }
0x6e: {  	v3 =	vor.u32 v3, v4  }
0x6f: {  	v4 =	vperm.xlane v3, v0;
	_ =	sdelay $0x1  }
0x70: {  	v4 =	vadd.s32 v1, v4;
	_ =	sdelay $0x1  }
0x71: {  	v3 =	vperm.xlane v3, v2;
	_ =	sdelay $0x1  }
0x72: {  	v3 =	vadd.s32 v1, v3  }
0x73: {  	[hbm4b:s3+s2] =	stream.indirect_vreg.scatter [tilespmem:s19], [sflag:$0x1], $0x80, v4, vm0, $0xb8;
	[tilespmem:$0x10080] =	vst v63  }
0x74: {  	_ = 	snop  }
0x75: {  	[hbm4b:s4+s2] =	stream.indirect_vreg.scatter [tilespmem:s20], [sflag:$0x1], $0x80, v4, vm0, $0xb8;
	[tilespmem:$0x10080] =	vst v63  }
0x76: {  	_ = 	snop  }
0x77: {  	[hbm4b:s3+s2] =	stream.indirect_vreg.scatter [tilespmem:s21], [sflag:$0x1], $0x80, v3, vm0, $0xb8;
	[tilespmem:$0x10080] =	vst v63  }
0x78: {  	_ = 	snop  }
0x79: {  	[hbm4b:s4+s2] =	stream.indirect_vreg.scatter [tilespmem:s22], [sflag:$0x1], $0x80, v3, vm0, $0xb8;
	[tilespmem:$0x10080] =	vst v63  }
0x7a: {  	v3 =	vld [tilespmem:$0x60];
	_ =	sdelay $0x4  }
0x7b: {  	v62 =	vshll.u32 v3, $0x2  }
0x7c: {  	v3 =	vand.u32 $0x7, v3;
	v4 =	vand.u32 $0xFFFFFFE0, v62  }
0x7d: {  	v3 =	vor.u32 v3, v4  }
0x7e: {  	v4 =	vperm.xlane v3, v0;
	_ =	sdelay $0x1  }
0x7f: {  	v4 =	vadd.s32 v1, v4;
	_ =	sdelay $0x1  }
0x80: {  	v3 =	vperm.xlane v3, v2;
	_ =	sdelay $0x1  }
0x81: {  	v3 =	vadd.s32 v1, v3  }
0x82: {  	[hbm4b:s3+s2] =	stream.indirect_vreg.scatter [tilespmem:s23], [sflag:$0x1], $0x80, v4, vm0, $0xb8;
	[tilespmem:$0x10080] =	vst v63  }
0x83: {  	_ = 	snop  }
0x84: {  	[hbm4b:s4+s2] =	stream.indirect_vreg.scatter [tilespmem:s24], [sflag:$0x1], $0x80, v4, vm0, $0xb8;
	[tilespmem:$0x10080] =	vst v63  }
0x85: {  	_ = 	snop  }
0x86: {  	[hbm4b:s3+s2] =	stream.indirect_vreg.scatter [tilespmem:s25], [sflag:$0x1], $0x80, v3, vm0, $0xb8;
	[tilespmem:$0x10080] =	vst v63  }
0x87: {  	_ = 	snop  }
0x88: {  	[hbm4b:s4+s2] =	stream.indirect_vreg.scatter [tilespmem:s26], [sflag:$0x1], $0x80, v3, vm0, $0xb8;
	[tilespmem:$0x10080] =	vst v63  }
0x89: {  	v3 =	vld [tilespmem:$0x70];
	_ =	sdelay $0x4  }
0x8a: {  	v63 =	vshll.u32 v3, $0x2  }
0x8b: {  	v3 =	vand.u32 $0x7, v3;
	v4 =	vand.u32 $0xFFFFFFE0, v63  }
0x8c: {  	v3 =	vor.u32 v3, v4  }
0x8d: {  	v4 =	vperm.xlane v3, v0;
	_ =	sdelay $0x1  }
0x8e: {  	v4 =	vadd.s32 v1, v4;
	_ =	sdelay $0x1  }
0x8f: {  	v3 =	vperm.xlane v3, v2;
	_ =	sdelay $0x1  }
0x90: {  	v3 =	vadd.s32 v1, v3  }
0x91: {  	[hbm4b:s3+s2] =	stream.indirect_vreg.scatter [tilespmem:s28], [sflag:$0x1], $0x80, v4, vm0, $0xb8;
	[tilespmem:$0x10080] =	vst v63  }
0x92: {  	_ = 	snop  }
0x93: {  	[hbm4b:s4+s2] =	stream.indirect_vreg.scatter [tilespmem:s29], [sflag:$0x1], $0x80, v4, vm0, $0xb8;
	[tilespmem:$0x10080] =	vst v63  }
0x94: {  	p0 =	sne.s32 s5, $0x1  }
0x95: {  	[hbm4b:s3+s2] =	stream.indirect_vreg.scatter [tilespmem:s30], [sflag:$0x1], $0x80, v3, vm0, $0xb8;
	[tilespmem:$0x10080] =	vst v63  }
.Ltmp0:
0x96: {  	_ = 	snop;
	(pc) =	sbr.rel @p0 .LBB2_1-.Ltmp0, $4  }
0x97: {  	[hbm4b:s4+s2] =	stream.indirect_vreg.scatter [tilespmem:s31], [sflag:$0x1], $0x80, v3, vm0, $0xb8;
	[tilespmem:$0x10080] =	vst v63  }
0x98: {  	_ =	swait.ge [sflag:s1], $0x10000  }
0x99: {  	[sflag:s1] =	ssyncset.done $0x0  }
0x9a: {  	s5 =	sadd.s32 $0xFFFFFFFF, s5;
	[sflag:s1] =	ssyncadd.s32 $0xFFFF0000  }
0x9b: {  	_ =	sfence.sel $0x180000  }
0x9c: {  	[bflag:$0x0] =	sbarrier.arrive $0xFFFF  }
0x9d: {  	_ =	strace $0x90000047  }
0x9e: {  	s0 =	stileid.u32;
	[bflag:$0x2] =	sbarrier.arrive $0xFFFF  }
0x9f: {  	p0 =	sne.s32 s0, $0x0;
	s0 =	rddreg [dreg:$0x2]  }
0xa0: {  	s0 =	sadd.s32 @!p0 $0x100000, s0  }
0xa1: {  	[sflag:s0] =	ssyncadd.tile.s32 @!p0 $0x1;
	_ =	shalt  }
.Lfunc_end2:
_tile_overlayer_lowered:
.L_overlay_start_2:
0xa2: {  	(tag) =	ssettag $0x2  }
0xa3: {  	s0 =	rddreg [dreg:$0x0];
	s2 =	stileid.u32  }
0xa4: {  	s1 =	rddreg [dreg:$0x1];
	p0 =	sne.s32 s2, $0x0  }
0xa5: {  	s3 =	rddreg [dreg:$0x2];
	[bflag:$0x3] =	sbarrier.arrive $0xFFFF;
	s2 =	simm.s32 @!p0 $0x1C02  }
0xa6: {  	[timem:s3], [sflag:s2] =	dma.local @!p0 [hbm:s0], s1  }
0xa7: {  	s0 =	simm.s32 @!p0 $0x2  }
0xa8: {  	_ =	swait.ge @!p0 [sflag:s0], s1  }
0xa9: {  	s1 =	ssub.s32 @!p0 $0x0, s1;
	[sflag:s0] =	ssyncset.done @!p0 $0x0  }
0xaa: {  	[sflag:s0] =	ssyncadd.s32 @!p0 s1  }
0xab: {  	[bflag:$0x3] =	sbarrier.arrive $0xFFFF  }
0xac: {  	_ =	shalt  }

// kernel: kernel.9.cloned.1.call-start
scs
__scs_entry_jumppad:
0x0: {  	(pc) =	sbr.rel $0x88, $3  }
0x1: {  	(tag) =	ssettag $0x0;
	lr =	simm.s32 $0x1  }
0x2: {  	[smem:$0x3F9A] =	sst lr;
	_ =	strace $0xD0000000  }
0x3: {  	_ = 	snop  }
0x4: {  	_ = 	snop  }
0x5: {  	_ = 	snop  }
0x6: {  	_ = 	snop  }
0x7: {  	_ = 	snop  }
__scs_overlays_trampoline_lowered:
0x8: {  	[smem:$0x3FA9] =	sst s0  }
0x9: {  	[smem:$0x3FAA] =	sst s1  }
0xa: {  	[smem:$0x3FAB] =	sst s2  }
0xb: {  	[smem:$0x3FAC] =	sst s3  }
0xc: {  	[smem:$0x3FAD] =	sst s4  }
0xd: {  	[smem:$0x3FAE] =	sst s5  }
0xe: {  	[smem:$0x3FAF] =	sst s6  }
0xf: {  	[smem:$0x3FB0] =	sst s7  }
0x10: {  	[smem:$0x3FB1] =	sst s8  }
0x11: {  	[smem:$0x3FB2] =	sst s9;
	s0 =	simm.s32 @!p0 $0x0  }
0x12: {  	s1 =	sld [smem:$0x3F98];
	s0 =	simm.s32 @p0 $0x1  }
0x13: {  	[smem:$0x3FB3] =	sst s0;
	s0 =	simm.s32 @!p1 $0x0  }
0x14: {  	s2 =	sld [smem:$0x3F97];
	s0 =	simm.s32 @p1 $0x1  }
0x15: {  	[smem:$0x3FB4] =	sst s0;
	s0 =	simm.s32 @!p2 $0x0  }
0x16: {  	s3 =	sld [smem:$0x3FDB];
	s0 =	simm.s32 @p2 $0x1  }
0x17: {  	s4 =	simm.s32 $0x1BF5;
	[smem:$0x3FB6] =	sst s0  }
0x18: {  	s0 =	sld [smem:$0x3F99];
	_ =	swait.ge [sflag:s4], $0x0  }
0x19: {  	s7 =	sld [smem:$0x3F9A]  }
0x1a: {  	s8 =	sadd.s32 $0xFFFFE003, lr  }
0x1b: {  	s9 =	sadd.s32 $0xFFFFFEF7, lr;
	s5 =	simm.s32 $0xFFFFFFFF;
	p2 =	slt.u32 s8, $0xFFFFF086  }
0x1c: {  	p1 =	slt.u32 s9, $0xF7A;
	s5 =	simm.s32 @!p2 $0x0  }
0x1d: {  	s5 =	simm.s32 @p1 $0x1;
	p0 =	seq.s32 s7, s2  }
0x1e: {  	s7 =	smul.u32 @!p0 $0xF7A, s2;
	p2 =	seq.s32 @!p0 s5, $0x0  }
0x1f: {  	s9 =	smul.u32 $0xF7A, s1;
	s8 =	simm.s32 @!p0 $0x1BF5;
	p2 =	por !p2, p0  }
0x20: {  	[sflag:s8] =	ssyncset.s32 @!p0 $0xFFFFF086;
	s6 =	sadd.s32 @!p0 s3, s7;
	s7 =	simm.s32 @!p0 $0x108  }
0x21: {  	s3 =	sadd.s32 s3, s9;
	s6 =	sadd.s32 @!p0 $0x88, s6;
	s7 =	simm.s32 @p2 $0x1082  }
0x22: {  	[simem:s7], [sflag:s8] =	dma.local @!p0 [hbm:s6], $0xF7A  }
0x23: {  	s9 =	sor.u32 $0xD0000000, s2;
	s6 =	simm.s32 $0x108;
	_ =	swait.ge @!p0 [sflag:s8], $0x0  }
0x24: {  	s3 =	sadd.s32 $0x88, s3;
	s6 =	simm.s32 @!p1 $0x1082;
	[sflag:s4] =	ssyncset.s32 $0xFFFFF086  }
0x25: {  	[simem:s6], [sflag:s4] =	dma.local [hbm:s3], $0xF7A  }
0x26: {  	[smem:$0x3F9A] =	sst s1;
	(tag) =	ssettag s2;
	_ =	strace s9  }
0x27: {  	s1 =	sld [smem:$0x3FAA]  }
0x28: {  	s2 =	sld [smem:$0x3FAB]  }
0x29: {  	s4 =	sld [smem:$0x3FAD]  }
0x2a: {  	p0 =	seq.s32 s5, $0x0;
	s5 =	sld [smem:$0x3FAE]  }
0x2b: {  	s6 =	sld [smem:$0x3FAF]  }
0x2c: {  	s7 =	sld [smem:$0x3FB0]  }
0x2d: {  	s3 =	simm.s32 $0x108;
	s8 =	sld [smem:$0x3FB1]  }
0x2e: {  	s3 =	simm.s32 @!p0 $0x1082;
	s9 =	sld [smem:$0x3FB2]  }
0x2f: {  	lr =	sadd.s32 s0, s3;
	s0 =	sld [smem:$0x3FA9]  }
0x30: {  	s3 =	sld [smem:$0x3FAC]  }
0x31: {  	[smem:$0x3FB5] =	sst s10  }
0x32: {  	s10 =	sld [smem:$0x3FB3];
	_ =	sdelay $0x3  }
0x33: {  	p0 =	seq.s32 s10, $0x1;
	s10 =	sld [smem:$0x3FB5];
	_ =	sdelay $0x3  }
0x34: {  	[smem:$0x3FB5] =	sst s10  }
0x35: {  	s10 =	sld [smem:$0x3FB4];
	_ =	sdelay $0x3  }
0x36: {  	p1 =	seq.s32 s10, $0x1;
	s10 =	sld [smem:$0x3FB5];
	_ =	sdelay $0x3  }
0x37: {  	[smem:$0x3FB5] =	sst s10  }
0x38: {  	s10 =	sld [smem:$0x3FB6]  }
0x39: {  	_ = 	snop;
	(pc) =	sbr.ind lr, $3  }
0x3a: {  	_ = 	snop  }
0x3b: {  	_ = 	snop  }
0x3c: {  	p2 =	seq.s32 s10, $0x1;
	s10 =	sld [smem:$0x3FB5]  }
0x3d: {  	_ =	shalt  }
0x3e: {  	_ =	shalt  }
0x3f: {  	_ =	shalt  }
0x40: {  	_ =	shalt  }
0x41: {  	_ =	shalt  }
0x42: {  	_ =	shalt  }
0x43: {  	_ =	shalt  }
0x44: {  	_ =	shalt  }
0x45: {  	_ =	shalt  }
0x46: {  	_ =	shalt  }
0x47: {  	_ =	shalt  }
0x48: {  	_ =	shalt  }
0x49: {  	_ =	shalt  }
0x4a: {  	_ =	shalt  }
0x4b: {  	_ =	shalt  }
0x4c: {  	_ =	shalt  }
0x4d: {  	_ =	shalt  }
0x4e: {  	_ =	shalt  }
0x4f: {  	_ =	shalt  }
0x50: {  	_ =	shalt  }
0x51: {  	_ =	shalt  }
0x52: {  	_ =	shalt  }
0x53: {  	_ =	shalt  }
0x54: {  	_ =	shalt  }
0x55: {  	_ =	shalt  }
0x56: {  	_ =	shalt  }
0x57: {  	_ =	shalt  }
0x58: {  	_ =	shalt  }
0x59: {  	_ =	shalt  }
0x5a: {  	_ =	shalt  }
0x5b: {  	_ =	shalt  }
0x5c: {  	_ =	shalt  }
0x5d: {  	_ =	shalt  }
0x5e: {  	_ =	shalt  }
0x5f: {  	_ =	shalt  }
0x60: {  	_ =	shalt  }
0x61: {  	_ =	shalt  }
0x62: {  	_ =	shalt  }
0x63: {  	_ =	shalt  }
0x64: {  	_ =	shalt  }
0x65: {  	_ =	shalt  }
0x66: {  	_ =	shalt  }
0x67: {  	_ =	shalt  }
0x68: {  	_ =	shalt  }
0x69: {  	_ =	shalt  }
0x6a: {  	_ =	shalt  }
0x6b: {  	_ =	shalt  }
0x6c: {  	_ =	shalt  }
0x6d: {  	_ =	shalt  }
0x6e: {  	_ =	shalt  }
0x6f: {  	_ =	shalt  }
0x70: {  	_ =	shalt  }
0x71: {  	_ =	shalt  }
0x72: {  	_ =	shalt  }
0x73: {  	_ =	shalt  }
0x74: {  	_ =	shalt  }
0x75: {  	_ =	shalt  }
0x76: {  	_ =	shalt  }
0x77: {  	_ =	shalt  }
0x78: {  	_ =	shalt  }
0x79: {  	_ =	shalt  }
0x7a: {  	_ =	shalt  }
0x7b: {  	_ =	shalt  }
0x7c: {  	_ =	shalt  }
0x7d: {  	_ =	shalt  }
0x7e: {  	_ =	shalt  }
0x7f: {  	_ =	shalt  }
0x80: {  	_ =	shalt  }
0x81: {  	_ =	shalt  }
0x82: {  	_ =	shalt  }
0x83: {  	_ =	shalt  }
0x84: {  	_ =	shalt  }
0x85: {  	_ =	shalt  }
0x86: {  	_ =	shalt  }
0x87: {  	_ =	shalt  }
.Lfunc_end0:
.L_simem_size_0:
called_computation.1_lowered:
.L_overlay_start_0:
0x88: {  	s2 =	sld [smem:$0x3FD9]  }
0x89: {  	s3 =	sld [smem:$0x3FFE];
	_ =	sdelay $0x1  }
0x8a: {  	s1 =	srdreg.scid  }
0x8b: {  	s0 =	sand.u32 $0x1, s1  }
0x8c: {  	s17 =	sshll.u32 s0, $0xA;
	s2 =	sadd.s32 s3, s2  }
0x8d: {  	s2 =	sadd.s32 s2, s17  }
0x8e: {  	[smem:$0x3FC1] =	sst s2  }
0x8f: {  	_ = 	snop  }
0x90: {  	s2 =	sld [smem:$0x3FD0];
	(tm) =	ssettm $0x1  }
0x91: {  	s18 =	sld [smem:$0x3FFB];
	_ =	sdelay $0x3  }
0x92: {  	_ =	strace s18  }
0x93: {  	s3 =	sld [smem:$0x3FFC];
	_ =	sdelay $0x3  }
0x94: {  	_ =	strace s3  }
0x95: {  	s3 =	sld [smem:$0x3FFD];
	_ =	sdelay $0x3  }
0x96: {  	_ =	strace s3  }
0x97: {  	_ =	strace $0x8FFFFFFF  }
0x98: {  	s19 =	sld [smem:$0x3FDB];
	_ =	sdelay $0x1  }
0x99: {  	s4 =	simm.s32 $_scs_section_size  }
0x9a: {  	s5 =	simm.s32 $_size__tile_overlayer_lowered;
	s6 =	simm.s32 $_tile_overlayer_lowered  }
0x9b: {  	s22 =	simm.s32 $0x1BFF;
	s21 =	sshll.u32 s6, $0x1;
	s3 =	sadd.s32 s4, s19  }
0x9c: {  	s7 =	simm.s32 $0x0;
	s20 =	sshll.u32 s5, $0x1;
	s5 =	sadd.s32 s21, s3  }
0x9d: {  	[timem:s7], [sflag:s22] =	dma.local [hbm:s5], s20  }
0x9e: {  	_ =	swait.ge [sflag:s22], s20  }
0x9f: {  	s4 =	ssub.s32 $0x0, s20;
	[sflag:s22] =	ssyncset.done $0x0  }
0xa0: {  	[sflag:s22] =	ssyncadd.s32 s4;
	_ =	sdelay $0x1  }
0xa1: {  	s23 =	simm.s32 $0x1B8B  }
0xa2: {  	_ =	swait.ge [sflag:s23], $0x1  }
0xa3: {  	[sflag:s23] =	ssyncset.done $0x0  }
0xa4: {  	s25 =	simm.s32 $0x1B8E;
	s24 =	sld [smem:$0x3FFE];
	[sflag:s23] =	ssyncadd.s32 $0xFFFFFFFF  }
0xa5: {  	s26 =	simm.s32 $execute0_lowered;
	[smem:$0x3FD2] =	sst s25  }
0xa6: {  	s5 =	sshll.u32 s26, $0x1;
	_ =	strace $0x80000049;
	[dreg:$0x1] =	wrdreg $0xFFFFFFFF  }
0xa7: {  	s28 =	simm.s32 $_size_execute0_lowered;
	s3 =	sadd.s32 s3, s5;
	[dreg:$0x0] =	wrdreg $0x0  }
0xa8: {  	s5 =	sshll.u32 s28, $0x1;
	[dreg:$0x2] =	wrdreg s3  }
0xa9: {  	[dreg:$0x3] =	wrdreg s5  }
0xaa: {  	[dreg:$0x4] =	wrdreg $0xC0  }
0xab: {  	_ =	task [dreg:s7], $0x5FFFF  }
0xac: {  	[dreg:$0x1] =	wrdreg $0xFFFFFFFF  }
0xad: {  	[dreg:$0x0] =	wrdreg $0x60  }
0xae: {  	[dreg:$0x2] =	wrdreg s24  }
0xaf: {  	[dreg:$0x3] =	wrdreg s2  }
0xb0: {  	[dreg:$0x4] =	wrdreg $0x9  }
0xb1: {  	_ =	task.clear_ibuf [dreg:s7], $0x5FFFF;
	_ =	strace $0x90000049  }
0xb2: {  	s29 =	simm.s32 $0x9;
	_ =	strace $0x8000004B  }
0xb3: {  	_ =	swait.ge [sflag:s29], $0x1  }
0xb4: {  	[sflag:s29] =	ssyncadd.s32 $0xFFFFFFFF  }
0xb5: {  	_ =	strace $0x9000004B  }
0xb6: {  	_ =	sfence  }
0xb7: {  	s30 =	sld [smem:$0x0];
	_ =	sdelay $0x2  }
0xb8: {  	s31 =	sshll.u32 s1, $0xD;
	s1 =	sshrl.u32 s1, $0x2  }
0xb9: {  	s3 =	sand.u32 $0x4000, s31;
	s1 =	sadd.s32 s1, s30  }
0xba: {  	s0 =	sor.u32 s3, s0;
	s1 =	sshll.u32 s1, $0x11  }
0xbb: {  	s0 =	sor.u32 s1, s0  }
0xbc: {  	s0 =	sadd.s32 $0x8F2B, s0  }
0xbd: {  	[sflag:s0] =	ssyncadd.remote.s32 $0x1  }
0xbe: {  	_ =	sfence.sel $0xFFFF  }
0xbf: {  	[dreg:$0x0] =	wrdreg $0xFFFFFFFF;
	(pc) =	sbr.abs _section_cstart, $3  }
0xc0: {  	[dreg:$0x1] =	wrdreg $0xFFFFFFFF  }
0xc1: {  	_ =	task.clear_ibuf [dreg:s7], $0x2FFFF;
	_ =	strace $0x9FFFFFFF  }
0xc2: {  	(tm) =	ssettm $0x7FFFFFFF  }
0xc3: {  	_ =	shalt  }
tec
execute0_lowered:
.L_overlay_start_1:
0x0: {  	(tag) =	ssettag $0x1  }
0x1: {  	s0 =	rddreg [dreg:$0x0]  }
0x2: {  	s3 =	rddreg [dreg:$0x1];
	s2 =	simm.s32 $0x0  }
0x3: {  	s22 =	simm.s32 $0x900;
	[smem:$0x7FF] =	sst s2  }
0x4: {  	s23 =	simm.s32 $0x1100;
	_ =	strace $0x8000004A;
	[dreg:$0x7] =	wrdreg s22  }
0x5: {  	s24 =	simm.s32 $0x1900;
	[dreg:$0x8] =	wrdreg s23  }
0x6: {  	s25 =	simm.s32 $0x2100;
	[dreg:$0x9] =	wrdreg s24  }
0x7: {  	s1 =	stileid.u32;
	s26 =	simm.s32 $0x2900;
	[dreg:$0xa] =	wrdreg s25  }
0x8: {  	s5 =	sshll.u32 s1, $0x5;
	s1 =	simm.s32 $0x3100;
	[dreg:$0xb] =	wrdreg s26  }
0x9: {  	s9 =	simm.s32 $0x5900;
	[dreg:$0xc] =	wrdreg s1  }
0xa: {  	s4 =	srdreg.scid;
	s10 =	simm.s32 $0x6100;
	[dreg:$0x11] =	wrdreg s9  }
0xb: {  	s11 =	simm.s32 $0x6900;
	s12 =	simm.s32 $0x7100;
	[dreg:$0x12] =	wrdreg s10  }
0xc: {  	s13 =	simm.s32 $0x7900;
	s14 =	simm.s32 $0x8100;
	[dreg:$0x13] =	wrdreg s11  }
0xd: {  	s15 =	simm.s32 $0x8900;
	s16 =	simm.s32 $0x9100;
	[dreg:$0x14] =	wrdreg s12  }
0xe: {  	s17 =	simm.s32 $0x9900;
	s18 =	simm.s32 $0xA100;
	[dreg:$0x15] =	wrdreg s13  }
0xf: {  	s28 =	simm.s32 $0x16900;
	s29 =	simm.s32 $0x17100;
	[dreg:$0x16] =	wrdreg s14  }
0x10: {  	s30 =	simm.s32 $0x17900;
	s31 =	simm.s32 $0x1;
	[dreg:$0x17] =	wrdreg s15  }
0x11: {  	s4 =	sand.u32 $0x1, s4;
	s7 =	sadd.s32 $0x1600, s0;
	[dreg:$0x18] =	wrdreg s16  }
0x12: {  	s6 =	sshll.u32 s4, $0x4;
	s4 =	ssub.s32 $0x2, s4;
	[dreg:$0x19] =	wrdreg s17  }
0x13: {  	[dreg:$0x1a] =	wrdreg s18;
	s22 =	simm.s32 $0xB900;
	s23 =	simm.s32 $0x80  }
0x14: {  	s24 =	simm.s32 $0xC900;
	s25 =	simm.s32 $0xD100;
	s26 =	simm.s32 $0xD900  }
0x15: {  	s9 =	simm.s32 $0xC100;
	s12 =	simm.s32 $0xF100;
	[dreg:$0x1d] =	wrdreg s22  }
0x16: {  	s13 =	simm.s32 $0xF900;
	s14 =	simm.s32 $0x10100;
	[dreg:$0x1e] =	wrdreg s23  }
0x17: {  	s15 =	simm.s32 $0x10900;
	s16 =	simm.s32 $0x11100;
	[dreg:$0x1f] =	wrdreg s24  }
0x18: {  	s17 =	simm.s32 $0x11900;
	s18 =	simm.s32 $0x12100;
	[smem:$0x7FC] =	sst s25  }
0x19: {  	s5 =	sor.u32 s6, s5;
	s19 =	sshrl.u32 s4, $0x1;
	[smem:$0x7FD] =	sst s26  }
0x1a: {  	s22 =	simm.s32 $0x14100;
	s23 =	simm.s32 $0x14900;
	s24 =	simm.s32 $0x15100  }
0x1b: {  	s25 =	simm.s32 $0x15900;
	s6 =	sadd.s32 s7, s5;
	s8 =	sor.u32 $0x8, s5  }
0x1c: {  	s26 =	simm.s32 $0x16100;
	[dreg:$0x3] =	wrdreg s6;
	s20 =	sadd.s32 s7, s8  }
0x1d: {  	s5 =	smul.u32 $0x300, s5;
	s6 =	simm.s32 $0x4100;
	[dreg:$0x4] =	wrdreg s20  }
0x1e: {  	s21 =	smul.u32 $0x300, s8;
	s7 =	simm.s32 $0x4900;
	[dreg:$0xe] =	wrdreg s6  }
0x1f: {  	s8 =	simm.s32 $0x5100;
	s5 =	sadd.s32 s3, s5;
	[dreg:$0xf] =	wrdreg s7  }
0x20: {  	[dreg:$0x10] =	wrdreg s8;
	s20 =	simm.s32 $0xA900;
	s6 =	ssub.s32 s4, s19  }
0x21: {  	s4 =	sadd.s32 $0xC1900, s0;
	s7 =	simm.s32 $0x3;
	[dreg:$0x5] =	wrdreg s5  }
0x22: {  	s8 =	simm.s32 $0x100;
	s3 =	sadd.s32 s3, s21;
	[dreg:$0x1b] =	wrdreg s20  }
0x23: {  	s19 =	simm.s32 $0x12900;
	s5 =	simm.s32 $0x3900;
	[dreg:$0x6] =	wrdreg s3  }
0x24: {  	v2 =	vlaneseq.u32;
	s21 =	simm.s32 $0xB100;
	s6 =	smax.u32 s6, $0x1;
	[dreg:$0xd] =	wrdreg s5  }
0x25: {  	vm0 =	vmmov $0xffff;
	v1 =	vshrl.u32 v2, $0x3;
	s20 =	simm.s32 $0x13100;
	s3 =	sadd.s32 $0xC1800, s0;
	[dreg:$0x1c] =	wrdreg s21  }
0x26: {  	v0 =	vand.u32 $0x7, v2;
	v2 =	vor.u32 $0x8, v2;
	v1 =	vmul.u32 $0x8, v1;
	s5 =	sadd.s32 $0xC1A00, s0;
	s21 =	simm.s32 $0x13900;
	s0 =	simm.s32 $0x2  }
.LBB2_1:
0x27: {  	s1 =	rddreg [dreg:$0x3]  }
0x28: {  	[tilespmem:s2], [sflag:$0x3] =	stream.linear.gather [hbm4b:s1+s2], $0x40, $0x38;
	[tilespmem:$0x18100] =	vst v63  }
0x29: {  	_ =	swait.ge [sflag:s7], $0x40  }
0x2a: {  	[sflag:s7] =	ssyncset.done $0x0  }
0x2b: {  	[sflag:s7] =	ssyncadd.s32 $0xFFFFFFC0  }
0x2c: {  	v3 =	vld [tilespmem:$0x0];
	_ =	sdelay $0x4  }
0x2d: {  	v4 =	vshrl.u32 v3, $0x3  }
0x2e: {  	v4 =	vmul.u32 $0x30, v4  }
0x2f: {  	v3 =	vand.u32 $0x7, v3  }
0x30: {  	v3 =	vor.u32 v3, v4  }
0x31: {  	v4 =	vperm.xlane v3, v0;
	_ =	sdelay $0x1  }
0x32: {  	v4 =	vadd.s32 v1, v4;
	_ =	sdelay $0x3  }
0x33: {  	v3 =	vperm.xlane v3, v2  }
0x34: {  	[tilespmem:s8], [sflag:$0x1] =	stream.indirect_vreg.gather [hbm4b:s3+s2], $0x80, v4, vm0, $0xb8;
	[tilespmem:$0x18100] =	vst v63  }
0x35: {  	s11 =	rddreg [dreg:$0x7];
	v3 =	vadd.s32 v1, v3  }
0x36: {  	[tilespmem:s11], [sflag:$0x1] =	stream.indirect_vreg.gather [hbm4b:s4+s2], $0x80, v4, vm0, $0xb8;
	[tilespmem:$0x18100] =	vst v63  }
0x37: {  	s10 =	rddreg [dreg:$0x8]  }
0x38: {  	[tilespmem:s10], [sflag:$0x1] =	stream.indirect_vreg.gather [hbm4b:s5+s2], $0x80, v4, vm0, $0xb8;
	[tilespmem:$0x18100] =	vst v63  }
0x39: {  	s11 =	rddreg [dreg:$0x9]  }
0x3a: {  	[tilespmem:s11], [sflag:$0x1] =	stream.indirect_vreg.gather [hbm4b:s3+s2], $0x80, v3, vm0, $0xb8;
	[tilespmem:$0x18100] =	vst v63  }
0x3b: {  	s10 =	rddreg [dreg:$0xa]  }
0x3c: {  	[tilespmem:s10], [sflag:$0x1] =	stream.indirect_vreg.gather [hbm4b:s4+s2], $0x80, v3, vm0, $0xb8;
	[tilespmem:$0x18100] =	vst v63  }
0x3d: {  	s11 =	rddreg [dreg:$0xb]  }
0x3e: {  	[tilespmem:s11], [sflag:$0x1] =	stream.indirect_vreg.gather [hbm4b:s5+s2], $0x80, v3, vm0, $0xb8;
	[tilespmem:$0x18100] =	vst v63  }
0x3f: {  	v3 =	vld [tilespmem:$0x10];
	_ =	sdelay $0x4  }
0x40: {  	v57 =	vshrl.u32 v3, $0x3  }
0x41: {  	v4 =	vmul.u32 $0x30, v57  }
0x42: {  	v3 =	vand.u32 $0x7, v3  }
0x43: {  	v3 =	vor.u32 v3, v4  }
0x44: {  	v4 =	vperm.xlane v3, v0;
	_ =	sdelay $0x1  }
0x45: {  	v4 =	vadd.s32 v1, v4;
	_ =	sdelay $0x3  }
0x46: {  	s10 =	rddreg [dreg:$0xc];
	v3 =	vperm.xlane v3, v2  }
0x47: {  	[tilespmem:s10], [sflag:$0x1] =	stream.indirect_vreg.gather [hbm4b:s3+s2], $0x80, v4, vm0, $0xb8;
	[tilespmem:$0x18100] =	vst v63  }
0x48: {  	s11 =	rddreg [dreg:$0xd];
	v3 =	vadd.s32 v1, v3  }
0x49: {  	[tilespmem:s11], [sflag:$0x1] =	stream.indirect_vreg.gather [hbm4b:s4+s2], $0x80, v4, vm0, $0xb8;
	[tilespmem:$0x18100] =	vst v63  }
0x4a: {  	s1 =	rddreg [dreg:$0xe]  }
0x4b: {  	[tilespmem:s1], [sflag:$0x1] =	stream.indirect_vreg.gather [hbm4b:s5+s2], $0x80, v4, vm0, $0xb8;
	[tilespmem:$0x18100] =	vst v63  }
0x4c: {  	s11 =	rddreg [dreg:$0xf]  }
0x4d: {  	[tilespmem:s11], [sflag:$0x1] =	stream.indirect_vreg.gather [hbm4b:s3+s2], $0x80, v3, vm0, $0xb8;
	[tilespmem:$0x18100] =	vst v63  }
0x4e: {  	s1 =	rddreg [dreg:$0x10]  }
0x4f: {  	[tilespmem:s1], [sflag:$0x1] =	stream.indirect_vreg.gather [hbm4b:s4+s2], $0x80, v3, vm0, $0xb8;
	[tilespmem:$0x18100] =	vst v63  }
0x50: {  	s11 =	rddreg [dreg:$0x11]  }
0x51: {  	[tilespmem:s11], [sflag:$0x1] =	stream.indirect_vreg.gather [hbm4b:s5+s2], $0x80, v3, vm0, $0xb8;
	[tilespmem:$0x18100] =	vst v63  }
0x52: {  	v3 =	vld [tilespmem:$0x20];
	_ =	sdelay $0x4  }
0x53: {  	v58 =	vshrl.u32 v3, $0x3  }
0x54: {  	v4 =	vmul.u32 $0x30, v58  }
0x55: {  	v3 =	vand.u32 $0x7, v3  }
0x56: {  	v3 =	vor.u32 v3, v4  }
0x57: {  	v4 =	vperm.xlane v3, v0;
	_ =	sdelay $0x1  }
0x58: {  	v4 =	vadd.s32 v1, v4;
	_ =	sdelay $0x3  }
0x59: {  	s10 =	rddreg [dreg:$0x12];
	v3 =	vperm.xlane v3, v2  }
0x5a: {  	[tilespmem:s10], [sflag:$0x1] =	stream.indirect_vreg.gather [hbm4b:s3+s2], $0x80, v4, vm0, $0xb8;
	[tilespmem:$0x18100] =	vst v63  }
0x5b: {  	s11 =	rddreg [dreg:$0x13];
	v3 =	vadd.s32 v1, v3  }
0x5c: {  	[tilespmem:s11], [sflag:$0x1] =	stream.indirect_vreg.gather [hbm4b:s4+s2], $0x80, v4, vm0, $0xb8;
	[tilespmem:$0x18100] =	vst v63  }
0x5d: {  	s1 =	rddreg [dreg:$0x14]  }
0x5e: {  	[tilespmem:s1], [sflag:$0x1] =	stream.indirect_vreg.gather [hbm4b:s5+s2], $0x80, v4, vm0, $0xb8;
	[tilespmem:$0x18100] =	vst v63  }
0x5f: {  	s11 =	rddreg [dreg:$0x15]  }
0x60: {  	[tilespmem:s11], [sflag:$0x1] =	stream.indirect_vreg.gather [hbm4b:s3+s2], $0x80, v3, vm0, $0xb8;
	[tilespmem:$0x18100] =	vst v63  }
0x61: {  	s1 =	rddreg [dreg:$0x16]  }
0x62: {  	[tilespmem:s1], [sflag:$0x1] =	stream.indirect_vreg.gather [hbm4b:s4+s2], $0x80, v3, vm0, $0xb8;
	[tilespmem:$0x18100] =	vst v63  }
0x63: {  	s11 =	rddreg [dreg:$0x17]  }
0x64: {  	[tilespmem:s11], [sflag:$0x1] =	stream.indirect_vreg.gather [hbm4b:s5+s2], $0x80, v3, vm0, $0xb8;
	[tilespmem:$0x18100] =	vst v63  }
0x65: {  	v3 =	vld [tilespmem:$0x30];
	_ =	sdelay $0x4  }
0x66: {  	v59 =	vshrl.u32 v3, $0x3  }
0x67: {  	v4 =	vmul.u32 $0x30, v59  }
0x68: {  	v3 =	vand.u32 $0x7, v3  }
0x69: {  	v3 =	vor.u32 v3, v4  }
0x6a: {  	v4 =	vperm.xlane v3, v0;
	_ =	sdelay $0x1  }
0x6b: {  	v4 =	vadd.s32 v1, v4;
	_ =	sdelay $0x2  }
0x6c: {  	s10 =	rddreg [dreg:$0x19]  }
0x6d: {  	s11 =	rddreg [dreg:$0x18];
	v3 =	vperm.xlane v3, v2  }
0x6e: {  	[tilespmem:s11], [sflag:$0x1] =	stream.indirect_vreg.gather [hbm4b:s3+s2], $0x80, v4, vm0, $0xb8;
	[tilespmem:$0x18100] =	vst v63  }
0x6f: {  	s1 =	rddreg [dreg:$0x1d];
	v3 =	vadd.s32 v1, v3  }
0x70: {  	[tilespmem:s10], [sflag:$0x1] =	stream.indirect_vreg.gather [hbm4b:s4+s2], $0x80, v4, vm0, $0xb8;
	[tilespmem:$0x18100] =	vst v63  }
0x71: {  	s11 =	rddreg [dreg:$0x1a]  }
0x72: {  	[tilespmem:s11], [sflag:$0x1] =	stream.indirect_vreg.gather [hbm4b:s5+s2], $0x80, v4, vm0, $0xb8;
	[tilespmem:$0x18100] =	vst v63  }
0x73: {  	s10 =	rddreg [dreg:$0x1b]  }
0x74: {  	[tilespmem:s10], [sflag:$0x1] =	stream.indirect_vreg.gather [hbm4b:s3+s2], $0x80, v3, vm0, $0xb8;
	[tilespmem:$0x18100] =	vst v63  }
0x75: {  	s11 =	rddreg [dreg:$0x1c]  }
0x76: {  	[tilespmem:s11], [sflag:$0x1] =	stream.indirect_vreg.gather [hbm4b:s4+s2], $0x80, v3, vm0, $0xb8;
	[tilespmem:$0x18100] =	vst v63  }
0x77: {  	s10 =	rddreg [dreg:$0x4]  }
0x78: {  	[tilespmem:s1], [sflag:$0x1] =	stream.indirect_vreg.gather [hbm4b:s5+s2], $0x80, v3, vm0, $0xb8;
	[tilespmem:$0x18100] =	vst v63  }
0x79: {  	s11 =	rddreg [dreg:$0x1e]  }
0x7a: {  	[tilespmem:s11], [sflag:$0x3] =	stream.linear.gather [hbm4b:s10+s2], $0x40, $0x38;
	[tilespmem:$0x18100] =	vst v63  }
0x7b: {  	_ =	swait.ge [sflag:s7], $0x40  }
0x7c: {  	[sflag:s7] =	ssyncset.done $0x0  }
0x7d: {  	[sflag:s7] =	ssyncadd.s32 $0xFFFFFFC0  }
0x7e: {  	v3 =	vld [tilespmem:$0x80];
	_ =	sdelay $0x4  }
0x7f: {  	v60 =	vshrl.u32 v3, $0x3  }
0x80: {  	v4 =	vmul.u32 $0x30, v60  }
0x81: {  	v3 =	vand.u32 $0x7, v3  }
0x82: {  	v3 =	vor.u32 v3, v4  }
0x83: {  	v4 =	vperm.xlane v3, v0;
	_ =	sdelay $0x1  }
0x84: {  	v4 =	vadd.s32 v1, v4;
	_ =	sdelay $0x3  }
0x85: {  	s11 =	rddreg [dreg:$0x1f];
	v3 =	vperm.xlane v3, v2  }
0x86: {  	[tilespmem:s9], [sflag:$0x2] =	stream.indirect_vreg.gather [hbm4b:s3+s2], $0x80, v4, vm0, $0xb8;
	[tilespmem:$0x18100] =	vst v63  }
0x87: {  	s10 =	sld [smem:$0x7FC];
	v3 =	vadd.s32 v1, v3  }
0x88: {  	[tilespmem:s11], [sflag:$0x2] =	stream.indirect_vreg.gather [hbm4b:s4+s2], $0x80, v4, vm0, $0xb8;
	[tilespmem:$0x18100] =	vst v63  }
0x89: {  	s11 =	sld [smem:$0x7FD]  }
0x8a: {  	[tilespmem:s10], [sflag:$0x2] =	stream.indirect_vreg.gather [hbm4b:s5+s2], $0x80, v4, vm0, $0xb8;
	[tilespmem:$0x18100] =	vst v63  }
0x8b: {  	_ = 	snop  }
0x8c: {  	[tilespmem:s11], [sflag:$0x2] =	stream.indirect_vreg.gather [hbm4b:s3+s2], $0x80, v3, vm0, $0xb8;
	[tilespmem:$0x18100] =	vst v63  }
0x8d: {  	s10 =	simm.s32 $0xE100  }
0x8e: {  	[tilespmem:s10], [sflag:$0x2] =	stream.indirect_vreg.gather [hbm4b:s4+s2], $0x80, v3, vm0, $0xb8;
	[tilespmem:$0x18100] =	vst v63  }
0x8f: {  	s11 =	simm.s32 $0xE900  }
0x90: {  	[tilespmem:s11], [sflag:$0x2] =	stream.indirect_vreg.gather [hbm4b:s5+s2], $0x80, v3, vm0, $0xb8;
	[tilespmem:$0x18100] =	vst v63  }
0x91: {  	v3 =	vld [tilespmem:$0x90];
	_ =	sdelay $0x4  }
0x92: {  	v61 =	vshrl.u32 v3, $0x3  }
0x93: {  	v4 =	vmul.u32 $0x30, v61  }
0x94: {  	v3 =	vand.u32 $0x7, v3  }
0x95: {  	v3 =	vor.u32 v3, v4  }
0x96: {  	v4 =	vperm.xlane v3, v0;
	_ =	sdelay $0x1  }
0x97: {  	v4 =	vadd.s32 v1, v4;
	_ =	sdelay $0x3  }
0x98: {  	v3 =	vperm.xlane v3, v2  }
0x99: {  	[tilespmem:s12], [sflag:$0x2] =	stream.indirect_vreg.gather [hbm4b:s3+s2], $0x80, v4, vm0, $0xb8;
	[tilespmem:$0x18100] =	vst v63  }
0x9a: {  	v3 =	vadd.s32 v1, v3  }
0x9b: {  	[tilespmem:s13], [sflag:$0x2] =	stream.indirect_vreg.gather [hbm4b:s4+s2], $0x80, v4, vm0, $0xb8;
	[tilespmem:$0x18100] =	vst v63  }
0x9c: {  	_ = 	snop  }
0x9d: {  	[tilespmem:s14], [sflag:$0x2] =	stream.indirect_vreg.gather [hbm4b:s5+s2], $0x80, v4, vm0, $0xb8;
	[tilespmem:$0x18100] =	vst v63  }
0x9e: {  	_ = 	snop  }
0x9f: {  	[tilespmem:s15], [sflag:$0x2] =	stream.indirect_vreg.gather [hbm4b:s3+s2], $0x80, v3, vm0, $0xb8;
	[tilespmem:$0x18100] =	vst v63  }
0xa0: {  	_ = 	snop  }
0xa1: {  	[tilespmem:s16], [sflag:$0x2] =	stream.indirect_vreg.gather [hbm4b:s4+s2], $0x80, v3, vm0, $0xb8;
	[tilespmem:$0x18100] =	vst v63  }
0xa2: {  	_ = 	snop  }
0xa3: {  	[tilespmem:s17], [sflag:$0x2] =	stream.indirect_vreg.gather [hbm4b:s5+s2], $0x80, v3, vm0, $0xb8;
	[tilespmem:$0x18100] =	vst v63  }
0xa4: {  	v3 =	vld [tilespmem:$0xA0];
	_ =	sdelay $0x4  }
0xa5: {  	v62 =	vshrl.u32 v3, $0x3  }
0xa6: {  	v4 =	vmul.u32 $0x30, v62  }
0xa7: {  	v3 =	vand.u32 $0x7, v3  }
0xa8: {  	v3 =	vor.u32 v3, v4  }
0xa9: {  	v4 =	vperm.xlane v3, v0;
	_ =	sdelay $0x1  }
0xaa: {  	v4 =	vadd.s32 v1, v4;
	_ =	sdelay $0x3  }
0xab: {  	v3 =	vperm.xlane v3, v2  }
0xac: {  	[tilespmem:s18], [sflag:$0x2] =	stream.indirect_vreg.gather [hbm4b:s3+s2], $0x80, v4, vm0, $0xb8;
	[tilespmem:$0x18100] =	vst v63  }
0xad: {  	v3 =	vadd.s32 v1, v3  }
0xae: {  	[tilespmem:s19], [sflag:$0x2] =	stream.indirect_vreg.gather [hbm4b:s4+s2], $0x80, v4, vm0, $0xb8;
	[tilespmem:$0x18100] =	vst v63  }
0xaf: {  	_ = 	snop  }
0xb0: {  	[tilespmem:s20], [sflag:$0x2] =	stream.indirect_vreg.gather [hbm4b:s5+s2], $0x80, v4, vm0, $0xb8;
	[tilespmem:$0x18100] =	vst v63  }
0xb1: {  	_ = 	snop  }
0xb2: {  	[tilespmem:s21], [sflag:$0x2] =	stream.indirect_vreg.gather [hbm4b:s3+s2], $0x80, v3, vm0, $0xb8;
	[tilespmem:$0x18100] =	vst v63  }
0xb3: {  	_ = 	snop  }
0xb4: {  	[tilespmem:s22], [sflag:$0x2] =	stream.indirect_vreg.gather [hbm4b:s4+s2], $0x80, v3, vm0, $0xb8;
	[tilespmem:$0x18100] =	vst v63  }
0xb5: {  	_ = 	snop  }
0xb6: {  	[tilespmem:s23], [sflag:$0x2] =	stream.indirect_vreg.gather [hbm4b:s5+s2], $0x80, v3, vm0, $0xb8;
	[tilespmem:$0x18100] =	vst v63  }
0xb7: {  	v3 =	vld [tilespmem:$0xB0];
	_ =	sdelay $0x4  }
0xb8: {  	v63 =	vshrl.u32 v3, $0x3  }
0xb9: {  	v4 =	vmul.u32 $0x30, v63  }
0xba: {  	v3 =	vand.u32 $0x7, v3  }
0xbb: {  	v3 =	vor.u32 v3, v4  }
0xbc: {  	v4 =	vperm.xlane v3, v0;
	_ =	sdelay $0x1  }
0xbd: {  	v4 =	vadd.s32 v1, v4;
	_ =	sdelay $0x3  }
0xbe: {  	v3 =	vperm.xlane v3, v2  }
0xbf: {  	[tilespmem:s24], [sflag:$0x2] =	stream.indirect_vreg.gather [hbm4b:s3+s2], $0x80, v4, vm0, $0xb8;
	[tilespmem:$0x18100] =	vst v63  }
0xc0: {  	v3 =	vadd.s32 v1, v3  }
0xc1: {  	[tilespmem:s25], [sflag:$0x2] =	stream.indirect_vreg.gather [hbm4b:s4+s2], $0x80, v4, vm0, $0xb8;
	[tilespmem:$0x18100] =	vst v63  }
0xc2: {  	_ = 	snop  }
0xc3: {  	[tilespmem:s26], [sflag:$0x2] =	stream.indirect_vreg.gather [hbm4b:s5+s2], $0x80, v4, vm0, $0xb8;
	[tilespmem:$0x18100] =	vst v63  }
0xc4: {  	_ = 	snop  }
0xc5: {  	[tilespmem:s28], [sflag:$0x2] =	stream.indirect_vreg.gather [hbm4b:s3+s2], $0x80, v3, vm0, $0xb8;
	[tilespmem:$0x18100] =	vst v63  }
0xc6: {  	_ = 	snop  }
0xc7: {  	[tilespmem:s29], [sflag:$0x2] =	stream.indirect_vreg.gather [hbm4b:s4+s2], $0x80, v3, vm0, $0xb8;
	[tilespmem:$0x18100] =	vst v63  }
0xc8: {  	_ = 	snop  }
0xc9: {  	[tilespmem:s30], [sflag:$0x2] =	stream.indirect_vreg.gather [hbm4b:s5+s2], $0x80, v3, vm0, $0xb8;
	[tilespmem:$0x18100] =	vst v63  }
0xca: {  	_ =	swait.ge [sflag:s31], $0xC000  }
0xcb: {  	[sflag:s31] =	ssyncset.done $0x0  }
0xcc: {  	s10 =	rddreg [dreg:$0x5];
	[sflag:s31] =	ssyncadd.s32 $0xFFFF4000  }
0xcd: {  	[hbm4b:s10+s2] =	stream.linear.scatter [tilespmem:s8], [sflag:$0x3], $0xC000, $0x38;
	[tilespmem:$0x18100] =	vst v63  }
0xce: {  	_ =	swait.ge [sflag:s7], $0xC000  }
0xcf: {  	[sflag:s7] =	ssyncset.done $0x0  }
0xd0: {  	[sflag:s7] =	ssyncadd.s32 $0xFFFF4000  }
0xd1: {  	_ =	swait.ge [sflag:s0], $0xC000  }
0xd2: {  	p0 =	sne.s32 s6, $0x1;
	[sflag:s0] =	ssyncset.done $0x0  }
.Ltmp0:
0xd3: {  	s11 =	rddreg [dreg:$0x6];
	[sflag:s0] =	ssyncadd.s32 $0xFFFF4000;
	(pc) =	sbr.rel @p0 .LBB2_1-.Ltmp0, $4  }
0xd4: {  	[hbm4b:s11+s2] =	stream.linear.scatter [tilespmem:s9], [sflag:$0x3], $0xC000, $0x38;
	[tilespmem:$0x18100] =	vst v63  }
0xd5: {  	_ =	swait.ge [sflag:s7], $0xC000  }
0xd6: {  	[sflag:s7] =	ssyncset.done $0x0  }
0xd7: {  	s6 =	sadd.s32 $0xFFFFFFFF, s6;
	[sflag:s7] =	ssyncadd.s32 $0xFFFF4000  }
0xd8: {  	_ =	sfence.sel $0x180000  }
0xd9: {  	[bflag:$0x0] =	sbarrier.arrive $0xFFFF  }
0xda: {  	_ =	strace $0x9000004A  }
0xdb: {  	s0 =	stileid.u32;
	[bflag:$0x2] =	sbarrier.arrive $0xFFFF  }
0xdc: {  	p0 =	sne.s32 s0, $0x0;
	s0 =	rddreg [dreg:$0x2]  }
0xdd: {  	s0 =	sadd.s32 @!p0 $0x100000, s0  }
0xde: {  	[sflag:s0] =	ssyncadd.tile.s32 @!p0 $0x1;
	_ =	shalt  }
.Lfunc_end2:
_tile_overlayer_lowered:
.L_overlay_start_2:
0xdf: {  	(tag) =	ssettag $0x2  }
0xe0: {  	s0 =	rddreg [dreg:$0x0];
	s2 =	stileid.u32  }
0xe1: {  	s1 =	rddreg [dreg:$0x1];
	p0 =	sne.s32 s2, $0x0  }
0xe2: {  	s3 =	rddreg [dreg:$0x2];
	[bflag:$0x3] =	sbarrier.arrive $0xFFFF;
	s2 =	simm.s32 @!p0 $0x1C03  }
0xe3: {  	[timem:s3], [sflag:s2] =	dma.local @!p0 [hbm:s0], s1  }
0xe4: {  	s0 =	simm.s32 @!p0 $0x3  }
0xe5: {  	_ =	swait.ge @!p0 [sflag:s0], s1  }
0xe6: {  	s1 =	ssub.s32 @!p0 $0x0, s1;
	[sflag:s0] =	ssyncset.done @!p0 $0x0  }
0xe7: {  	[sflag:s0] =	ssyncadd.s32 @!p0 s1  }
0xe8: {  	[bflag:$0x3] =	sbarrier.arrive $0xFFFF  }
0xe9: {  	_ =	shalt  }

</sc_bundles>
